<compile_context>
chip_gen: v7x
topology: tpu7x:2x2x1
jax: 0.10.2.dev20260603
libtpu: 0.0.44.dev20260713+nightly
codegen_flags: <defaults>
</compile_context>

<pallas_src>
import functools

import numpy as np
import jax
import jax.numpy as jnp
from jax import lax
from jax.experimental import pallas as pl
from jax.experimental.pallas import tpu as pltpu
from jax.experimental.pallas import tpu_sc as plsc

_GAMMA = 10.0
_GRID = 64
_THRESH = 1.0
_SIGMA = 1.5
_CONG_W = 0.1
_STEEP = 2.0

_B, _V, _P, _N, _MP = 4, 512, 8192, 2048, 16
_NW = 32
_WPB = _NW // _B
_NPW = _N // _WPB
_NGRP = _NPW // 16
_CSH = float(_GRID // 2)


def _gauss_band_matrix():
    ksize = max(int(4 * _SIGMA) | 1, 3)
    half = ksize // 2
    x = np.arange(ksize, dtype=np.float64) - half
    g1 = np.exp(-(x ** 2) / (2 * _SIGMA ** 2))
    g1 = g1 / g1.sum()
    A = np.zeros((_GRID, _GRID), dtype=np.float32)
    for i in range(_GRID):
        for j in range(max(0, i - half), min(_GRID, i + half + 1)):
            A[i, j] = g1[j - i + half]
    return A


_GAUSS_A = jnp.asarray(_gauss_band_matrix())


def _sc_stats_body(ntp_hbm, p2m_hbm, off_hbm, pos_hbm, oh_hbm, out_hbm,
                   ntp_v, p2m_v, off_v, pos_v, oh_v, c_v, s_v, res_v):
    wid = lax.axis_index("s") * 2 + lax.axis_index("c")
    b = wid // _WPB
    n0 = (wid % _WPB) * _NPW

    pltpu.sync_copy(ntp_hbm.at[pl.ds(n0 * _MP, _NPW * _MP)], ntp_v)
    pltpu.sync_copy(p2m_hbm, p2m_v)
    pltpu.sync_copy(off_hbm, off_v)
    pltpu.sync_copy(pos_hbm.at[pl.ds(b * _V * 2, _V * 2)], pos_v)
    pltpu.sync_copy(oh_hbm.at[pl.ds(b * _V * 4, _V * 4)], oh_v)

    lanes = lax.broadcasted_iota(jnp.int32, (16,), 0)
    neg = jnp.full((16,), -1e9, jnp.float32)
    pos = jnp.full((16,), 1e9, jnp.float32)

    def build_cs(j, carry):
        i4 = (j * 16 + lanes) * 4
        o0 = plsc.load_gather(oh_v, [i4])
        o1 = plsc.load_gather(oh_v, [i4 + 1])
        o2 = plsc.load_gather(oh_v, [i4 + 2])
        o3 = plsc.load_gather(oh_v, [i4 + 3])
        sl = pl.ds(j * 16, 16)
        c_v[sl] = o0 - o2
        s_v[sl] = o1 - o3
        return carry

    lax.fori_loop(0, _V // 16, build_cs, 0)

    def group(t, carry):
        row = t * (16 * _MP) + lanes * _MP
        zero = jnp.zeros((16,), jnp.float32)
        sgx, snx, sgy, sny = zero, zero, zero, zero
        bxmax, bymax = neg, neg
        bxmin, bymin = pos, pos
        for m in range(_MP):
            idx = plsc.load_gather(ntp_v, [row + m])
            valid = idx >= 0
            safe = jnp.maximum(idx, 0)
            mac = plsc.load_gather(p2m_v, [safe])
            mac2 = mac + mac
            px = plsc.load_gather(pos_v, [mac2])
            py = plsc.load_gather(pos_v, [mac2 + 1])
            c = plsc.load_gather(c_v, [mac])
            s = plsc.load_gather(s_v, [mac])
            safe2 = safe + safe
            ox = plsc.load_gather(off_v, [safe2])
            oy = plsc.load_gather(off_v, [safe2 + 1])
            x = px + c * ox - s * oy
            y = py + s * ox + c * oy
            xm = jnp.where(valid, x, neg)
            xn = jnp.where(valid, x, pos)
            ym = jnp.where(valid, y, neg)
            yn = jnp.where(valid, y, pos)
            sgx = sgx + jnp.exp(_GAMMA * xm)
            snx = snx + jnp.exp(-_GAMMA * xn)
            sgy = sgy + jnp.exp(_GAMMA * ym)
            sny = sny + jnp.exp(-_GAMMA * yn)
            bxmax = jnp.maximum(bxmax, xm)
            bxmin = jnp.minimum(bxmin, xn)
            bymax = jnp.maximum(bymax, ym)
            bymin = jnp.minimum(bymin, yn)
        sl = pl.ds(t * 16, 16)
        res_v[0, sl] = sgx
        res_v[1, sl] = snx
        res_v[2, sl] = sgy
        res_v[3, sl] = sny
        res_v[4, sl] = bxmax
        res_v[5, sl] = bxmin
        res_v[6, sl] = bymax
        res_v[7, sl] = bymin
        return carry

    lax.fori_loop(0, _NGRP, group, 0)

    for k in range(8):
        pltpu.sync_copy(res_v.at[k], out_hbm.at[b * 8 + k, pl.ds(n0, _NPW)])


@functools.lru_cache(maxsize=1)
def _sc_stats():
    return pl.kernel(
        _sc_stats_body,
        mesh=plsc.VectorSubcoreMesh(core_axis_name="c", subcore_axis_name="s"),
        compiler_params=pltpu.CompilerParams(needs_layout_passes=False),
        out_type=jax.ShapeDtypeStruct((8 * _B, _N), jnp.float32),
        scratch_types=[
            pltpu.VMEM((_NPW * _MP,), jnp.int32),
            pltpu.VMEM((_P,), jnp.int32),
            pltpu.VMEM((_P * 2,), jnp.float32),
            pltpu.VMEM((_V * 2,), jnp.float32),
            pltpu.VMEM((_V * 4,), jnp.float32),
            pltpu.VMEM((_V,), jnp.float32),
            pltpu.VMEM((_V,), jnp.float32),
            pltpu.VMEM((8, _NPW), jnp.float32),
        ],
    )


def _tc_tail_body(sums_ref, w_ref, A_ref, tot_ref, hpwl_ref, pen_ref):
    A = A_ref[...]
    w = w_ref[...]
    irow = lax.broadcasted_iota(jnp.int32, (_GRID, 1), 0).astype(jnp.float32)
    u = jnp.exp(_STEEP * (_CSH - irow))
    v = jnp.exp(_STEEP * (irow - _CSH))

    for b in range(_B):
        S = sums_ref[b * 8:(b + 1) * 8, :]
        logs = jnp.log(S[0:4, :])
        wl = jnp.sum(logs, axis=0, keepdims=True) * (1.0 / _GAMMA)
        hp = jnp.sum(wl * w)

        scale = 0.5 * (_GRID - 1)
        gxmax = (S[4:5, :] + 1.0) * scale
        gxmin = (S[5:6, :] + 1.0) * scale
        gymax = (S[6:7, :] + 1.0) * scale
        gymin = (S[7:8, :] + 1.0) * scale

        eax = jnp.exp(_STEEP * (gxmin - _CSH))
        ebx = jnp.exp(-_STEEP * (gxmax - _CSH))
        eay = jnp.exp(_STEEP * (gymin - _CSH))
        eby = jnp.exp(-_STEEP * (gymax - _CSH))
        wx = 1.0 / ((1.0 + eax * ebx) + (eax * u + ebx * v))
        wy = 1.0 / ((1.0 + eay * eby) + (eay * u + eby * v))
        area = jnp.clip((gxmax - gxmin + 1.0) * (gymax - gymin + 1.0),
                        1.0, None)
        wxa = wx * (1.0 / area)

        rudy = lax.dot_general(
            wy, wxa, (((1,), (1,)), ((), ())),
            preferred_element_type=jnp.float32,
            precision=lax.Precision.HIGHEST)
        sm = jnp.dot(A, rudy, preferred_element_type=jnp.float32,
                     precision=lax.Precision.HIGHEST)
        sm = jnp.dot(sm, A, preferred_element_type=jnp.float32,
                     precision=lax.Precision.HIGHEST)
        o = jnp.maximum(sm - _THRESH, 0.0)
        pen = jnp.sum(o * o)

        hpwl_ref[b] = hp
        pen_ref[b] = pen
        tot_ref[b] = hp + _CONG_W * pen


def _tc_tail(sums, weights_row, A):
    return pl.pallas_call(
        _tc_tail_body,
        out_shape=(
            jax.ShapeDtypeStruct((_B,), jnp.float32),
            jax.ShapeDtypeStruct((_B,), jnp.float32),
            jax.ShapeDtypeStruct((_B,), jnp.float32),
        ),
        in_specs=[
            pl.BlockSpec(memory_space=pltpu.VMEM),
            pl.BlockSpec(memory_space=pltpu.VMEM),
            pl.BlockSpec(memory_space=pltpu.VMEM),
        ],
        out_specs=(
            pl.BlockSpec(memory_space=pltpu.SMEM),
            pl.BlockSpec(memory_space=pltpu.SMEM),
            pl.BlockSpec(memory_space=pltpu.SMEM),
        ),
    )(sums, weights_row, A)


def kernel(positions, net_to_pin, pin_to_macro, pin_offsets, rotation_onehot,
           net_weights):
    ntp = net_to_pin.astype(jnp.int32).reshape(-1)
    p2m = pin_to_macro.astype(jnp.int32)
    off = pin_offsets.astype(jnp.float32).reshape(-1)
    posf = positions.astype(jnp.float32).reshape(-1)
    ohf = rotation_onehot.astype(jnp.float32).reshape(-1)

    sums = _sc_stats()(ntp, p2m, off, posf, ohf)

    total = sums[0, :_B]
    return total, total, total

# --- scband reference (transcript-rebuilt; emitter-appended) ---
"""Pipeline reference for scband-trinity-guidance-77335181132479 (READ-ONLY COPY).

The authoritative reference and input builder live on the scoring server;
editing this copy changes nothing except your own understanding.
"""

import jax, jax.numpy as jnp
import numpy as np

GAMMA = 10.0
GRID = 64
THRESH = 1.0
SIGMA = 1.5
CONG_W = 0.1
STEEP = 2.0

R_ALL = jnp.array([[[1, 0], [0, 1]], [[0, -1], [1, 0]], [[-1, 0], [0, -1]], [[0, 1], [-1, 0]]], dtype=jnp.float32)


def _gauss_kernel(sigma):
    ksize = max(int(4 * sigma) | 1, 3)
    x = np.arange(ksize, dtype=np.float32) - ksize // 2
    g1 = np.exp(-x ** 2 / (2 * sigma ** 2))
    g2 = np.outer(g1, g1)
    g2 = g2 / g2.sum()
    return jnp.asarray(g2, dtype=jnp.float32)[None, None]


def _trinity_forward(positions, pin_offsets, rotation_onehot, net_weights, net_to_pin, pin_to_macro):
    B = positions.shape[0]
    M = GRID
    macro_pos = positions[:, pin_to_macro, :]
    macro_rot = rotation_onehot[:, pin_to_macro, :]
    R = jnp.einsum('bpk,kij->bpij', macro_rot, R_ALL)
    rotated = jnp.einsum('bpij,pj->bpi', R, pin_offsets)
    pin_pos = macro_pos + rotated
    valid = net_to_pin >= 0
    safe = jnp.clip(net_to_pin, 0, None)
    net_pin_pos = pin_pos[:, safe, :]
    mask = valid[None, :, :, None]
    mmax = jnp.where(mask, net_pin_pos, -1e9)
    mmin = jnp.where(mask, net_pin_pos, 1e9)
    lse_max = jax.nn.logsumexp(GAMMA * mmax, axis=2) / GAMMA
    lse_min = -jax.nn.logsumexp(-GAMMA * mmin, axis=2) / GAMMA
    wl_per_net = (lse_max - lse_min).sum(axis=-1) * net_weights[None, :]
    hpwl = wl_per_net.sum(axis=1)
    bbmax = mmax.max(axis=2)
    bbmin = mmin.min(axis=2)
    gmax = (bbmax + 1.0) * 0.5 * (M - 1)
    gmin = (bbmin + 1.0) * 0.5 * (M - 1)
    grid = jnp.arange(M, dtype=jnp.float32)
    wx = jax.nn.sigmoid(STEEP * (grid[None, None, :] - gmin[..., 0:1])) * jax.nn.sigmoid(STEEP * (gmax[..., 0:1] - grid[None, None, :]))
    wy = jax.nn.sigmoid(STEEP * (grid[None, None, :] - gmin[..., 1:2])) * jax.nn.sigmoid(STEEP * (gmax[..., 1:2] - grid[None, None, :]))
    area = jnp.clip((gmax[..., 0] - gmin[..., 0] + 1.0) * (gmax[..., 1] - gmin[..., 1] + 1.0), 1.0, None)
    rudy = jnp.einsum('bnx,bny->byx', wx / area[..., None], wy)[:, None, :, :]
    kernel = _gauss_kernel(SIGMA)
    rudy_smooth = jax.lax.conv_general_dilated(rudy, kernel, (1, 1), 'SAME', dimension_numbers=('NCHW', 'OIHW', 'NCHW'))
    overflow = jax.nn.relu(rudy_smooth - THRESH)
    penalty = (overflow ** 2).sum(axis=(1, 2, 3))
    total = hpwl + CONG_W * penalty
    return total, hpwl, penalty


def setup_inputs(seed: int = 0) -> dict:
    key = jax.random.key(seed)
    k1, k2, k3, k4, k5, k6, k7 = jax.random.split(key, 7)
    B, V, P, N, MP = 4, 512, 8192, 2048, 16
    positions = jax.random.uniform(k1, (B, V, 2), minval=-1.0, maxval=1.0, dtype=jnp.float32)
    net_to_pin = jax.random.randint(k2, (N, MP), 0, P)
    drop = jax.random.uniform(k3, (N, MP)) < 0.3
    drop = drop.at[:, 0].set(False)
    net_to_pin = jnp.where(drop, -1, net_to_pin)
    pin_to_macro = jax.random.randint(k4, (P,), 0, V)
    pin_offsets = jax.random.normal(k5, (P, 2), dtype=jnp.float32) * 0.02
    rot_idx = jax.random.randint(k6, (B, V), 0, 4)
    rotation_onehot = jax.nn.one_hot(rot_idx, 4, dtype=jnp.float32)
    net_weights = jax.random.uniform(k7, (N,), minval=0.5, maxval=1.5, dtype=jnp.float32)
    return {'positions': positions, 'net_to_pin': net_to_pin, 'pin_to_macro': pin_to_macro, 'pin_offsets': pin_offsets, 'rotation_onehot': rotation_onehot, 'net_weights': net_weights}


def reference(positions, net_to_pin, pin_to_macro, pin_offsets, rotation_onehot, net_weights):
    return _trinity_forward(positions, pin_offsets, rotation_onehot, net_weights, net_to_pin, pin_to_macro)

if __name__ == "__main__":
    import jax
    _d = setup_inputs()
    print(jax.jit(kernel)(*tuple(_d.values())))

</pallas_src>

<mosaic_0001>
#map = affine_map<(d0, d1) -> (0)>
#map1 = affine_map<(d0, d1) -> (0, 0)>
module attributes {stable_mosaic.version = 14 : i64} {
  func.func @_sc_stats_body(%arg0: i32, %arg1: i32, %arg2: memref<32768xi32, #tpu.memory_space<hbm>>, %arg3: memref<8192xi32, #tpu.memory_space<hbm>>, %arg4: memref<16384xf32, #tpu.memory_space<hbm>>, %arg5: memref<4096xf32, #tpu.memory_space<hbm>>, %arg6: memref<8192xf32, #tpu.memory_space<hbm>>, %arg7: memref<32x2048xf32, #tpu.memory_space<hbm>>, %arg8: memref<4096xi32, #tpu.memory_space<vmem>>, %arg9: memref<8192xi32, #tpu.memory_space<vmem>>, %arg10: memref<16384xf32, #tpu.memory_space<vmem>>, %arg11: memref<1024xf32, #tpu.memory_space<vmem>>, %arg12: memref<2048xf32, #tpu.memory_space<vmem>>, %arg13: memref<512xf32, #tpu.memory_space<vmem>>, %arg14: memref<512xf32, #tpu.memory_space<vmem>>, %arg15: memref<8x256xf32, #tpu.memory_space<vmem>>) attributes {dimension_semantics = [#tpu.dimension_semantics<core_parallel>, #tpu.dimension_semantics<subcore_parallel>], iteration_bounds = array<i64: 2, 16>, scalar_prefetch = 0 : i64, scratch_operands = 8 : i64, tpu.core_type = #tpu.core_type<sc_vector_subcore>, window_params = [{transform_indices = #map}, {transform_indices = #map}, {transform_indices = #map}, {transform_indices = #map}, {transform_indices = #map}, {transform_indices = #map1}]} {
    %mul3A = arith.constant 2 : i32
    %mul3A_0 = arith.muli %arg1, %mul3A : i32
    %add3A = arith.addi %mul3A_0, %arg0 : i32
    %jit3A = arith.constant 8 : i32
    %div3A = arith.divsi %add3A, %jit3A : i32
    %sign3A = arith.constant 0 : i32
    %sign3A_1 = arith.cmpi sgt, %add3A, %sign3A : i32
    %sign3A_2 = arith.extui %sign3A_1 : i1 to i32
    %sign3A_3 = arith.constant 0 : i32
    %sign3A_4 = arith.cmpi slt, %add3A, %sign3A_3 : i32
    %sign3A_5 = arith.extui %sign3A_4 : i1 to i32
    %sign3A_6 = arith.subi %sign3A_2, %sign3A_5 : i32
    %sign3A_7 = arith.constant 0 : i32
    %sign3A_8 = arith.cmpi sgt, %jit3A, %sign3A_7 : i32
    %sign3A_9 = arith.extui %sign3A_8 : i1 to i32
    %sign3A_10 = arith.constant 0 : i32
    %sign3A_11 = arith.cmpi slt, %jit3A, %sign3A_10 : i32
    %sign3A_12 = arith.extui %sign3A_11 : i1 to i32
    %sign3A_13 = arith.subi %sign3A_9, %sign3A_12 : i32
    %ne3A = arith.cmpi ne, %sign3A_6, %sign3A_13 : i32
    %rem3A = arith.remsi %add3A, %jit3A : i32
    %ne3A_14 = arith.constant 0 : i32
    %ne3A_15 = arith.cmpi ne, %rem3A, %ne3A_14 : i32
    %and3A = arith.andi %ne3A, %ne3A_15 : i1
    %sub3A = arith.constant 1 : i32
    %sub3A_16 = arith.subi %div3A, %sub3A : i32
    %select_n3A = arith.select %and3A, %sub3A_16, %div3A : i32
    %jit3A_17 = arith.constant 8 : i32
    %eq3A = arith.constant 0 : i32
    %eq3A_18 = arith.cmpi eq, %jit3A_17, %eq3A : i32
    %jit3A_19 = arith.constant 1 : i32
    %select_n3A_20 = arith.select %eq3A_18, %jit3A_19, %jit3A_17 : i32
    %rem3A_21 = arith.remsi %add3A, %select_n3A_20 : i32
    %ne3A_22 = arith.constant 0 : i32
    %ne3A_23 = arith.cmpi ne, %rem3A_21, %ne3A_22 : i32
    %lt3A = arith.constant 0 : i32
    %lt3A_24 = arith.cmpi slt, %rem3A_21, %lt3A : i32
    %lt3A_25 = arith.constant 0 : i32
    %lt3A_26 = arith.cmpi slt, %select_n3A_20, %lt3A_25 : i32
    %ne3A_27 = arith.xori %lt3A_24, %lt3A_26 : i1
    %and3A_28 = arith.andi %ne3A_27, %ne3A_23 : i1
    %add3A_29 = arith.addi %rem3A_21, %select_n3A_20 : i32
    %select_n3A_30 = arith.select %and3A_28, %add3A_29, %rem3A_21 : i32
    %mul3A_31 = arith.constant 256 : i32
    %mul3A_32 = arith.muli %select_n3A_30, %mul3A_31 : i32
    %mul3A_33 = arith.constant 16 : i32
    %mul3A_34 = arith.muli %mul3A_32, %mul3A_33 : i32
    "tpu.region"() ({
      %run_scoped3A_96 = tpu.sem_alloc : memref<!tpu.dma_semaphore, #tpu.memory_space<semaphore_mem>>
      %dma_start3A = tpu.memref_slice %arg2[%mul3A_34] : memref<32768xi32, #tpu.memory_space<hbm>> -> memref<4096xi32, #tpu.memory_space<hbm>>
      %dma_start3A_97 = tpu.memref_slice %arg2[%mul3A_34] : memref<32768xi32, #tpu.memory_space<hbm>> -> memref<4096xi32, #tpu.memory_space<hbm>>
      tpu.enqueue_dma source(%dma_start3A_97 : memref<4096xi32, #tpu.memory_space<hbm>>) target(%arg8 : memref<4096xi32, #tpu.memory_space<vmem>>) target_semaphore(%run_scoped3A_96 : memref<!tpu.dma_semaphore, #tpu.memory_space<semaphore_mem>>)
      %dma_wait3A = tpu.memref_slice %arg2[%mul3A_34] : memref<32768xi32, #tpu.memory_space<hbm>> -> memref<4096xi32, #tpu.memory_space<hbm>>
      %dma_wait3A_98 = tpu.memref_slice %arg2[%mul3A_34] : memref<32768xi32, #tpu.memory_space<hbm>> -> memref<4096xi32, #tpu.memory_space<hbm>>
      tpu.wait_dma2 semaphore(%run_scoped3A_96 : memref<!tpu.dma_semaphore, #tpu.memory_space<semaphore_mem>>) src(%dma_wait3A_98 : memref<4096xi32, #tpu.memory_space<hbm>>) dst(%arg8 : memref<4096xi32, #tpu.memory_space<vmem>>)
      tpu.yield
    }) : () -> ()
    "tpu.region"() ({
      %run_scoped3A_96 = tpu.sem_alloc : memref<!tpu.dma_semaphore, #tpu.memory_space<semaphore_mem>>
      tpu.enqueue_dma source(%arg3 : memref<8192xi32, #tpu.memory_space<hbm>>) target(%arg9 : memref<8192xi32, #tpu.memory_space<vmem>>) target_semaphore(%run_scoped3A_96 : memref<!tpu.dma_semaphore, #tpu.memory_space<semaphore_mem>>)
      tpu.wait_dma2 semaphore(%run_scoped3A_96 : memref<!tpu.dma_semaphore, #tpu.memory_space<semaphore_mem>>) src(%arg3 : memref<8192xi32, #tpu.memory_space<hbm>>) dst(%arg9 : memref<8192xi32, #tpu.memory_space<vmem>>)
      tpu.yield
    }) : () -> ()
    "tpu.region"() ({
      %run_scoped3A_96 = tpu.sem_alloc : memref<!tpu.dma_semaphore, #tpu.memory_space<semaphore_mem>>
      tpu.enqueue_dma source(%arg4 : memref<16384xf32, #tpu.memory_space<hbm>>) target(%arg10 : memref<16384xf32, #tpu.memory_space<vmem>>) target_semaphore(%run_scoped3A_96 : memref<!tpu.dma_semaphore, #tpu.memory_space<semaphore_mem>>)
      tpu.wait_dma2 semaphore(%run_scoped3A_96 : memref<!tpu.dma_semaphore, #tpu.memory_space<semaphore_mem>>) src(%arg4 : memref<16384xf32, #tpu.memory_space<hbm>>) dst(%arg10 : memref<16384xf32, #tpu.memory_space<vmem>>)
      tpu.yield
    }) : () -> ()
    %mul3A_35 = arith.constant 512 : i32
    %mul3A_36 = arith.muli %select_n3A, %mul3A_35 : i32
    %mul3A_37 = arith.constant 2 : i32
    %mul3A_38 = arith.muli %mul3A_36, %mul3A_37 : i32
    "tpu.region"() ({
      %run_scoped3A_96 = tpu.sem_alloc : memref<!tpu.dma_semaphore, #tpu.memory_space<semaphore_mem>>
      %dma_start3A = tpu.memref_slice %arg5[%mul3A_38] : memref<4096xf32, #tpu.memory_space<hbm>> -> memref<1024xf32, #tpu.memory_space<hbm>>
      %dma_start3A_97 = tpu.memref_slice %arg5[%mul3A_38] : memref<4096xf32, #tpu.memory_space<hbm>> -> memref<1024xf32, #tpu.memory_space<hbm>>
      tpu.enqueue_dma source(%dma_start3A_97 : memref<1024xf32, #tpu.memory_space<hbm>>) target(%arg11 : memref<1024xf32, #tpu.memory_space<vmem>>) target_semaphore(%run_scoped3A_96 : memref<!tpu.dma_semaphore, #tpu.memory_space<semaphore_mem>>)
      %dma_wait3A = tpu.memref_slice %arg5[%mul3A_38] : memref<4096xf32, #tpu.memory_space<hbm>> -> memref<1024xf32, #tpu.memory_space<hbm>>
      %dma_wait3A_98 = tpu.memref_slice %arg5[%mul3A_38] : memref<4096xf32, #tpu.memory_space<hbm>> -> memref<1024xf32, #tpu.memory_space<hbm>>
      tpu.wait_dma2 semaphore(%run_scoped3A_96 : memref<!tpu.dma_semaphore, #tpu.memory_space<semaphore_mem>>) src(%dma_wait3A_98 : memref<1024xf32, #tpu.memory_space<hbm>>) dst(%arg11 : memref<1024xf32, #tpu.memory_space<vmem>>)
      tpu.yield
    }) : () -> ()
    %mul3A_39 = arith.constant 512 : i32
    %mul3A_40 = arith.muli %select_n3A, %mul3A_39 : i32
    %mul3A_41 = arith.constant 4 : i32
    %mul3A_42 = arith.muli %mul3A_40, %mul3A_41 : i32
    "tpu.region"() ({
      %run_scoped3A_96 = tpu.sem_alloc : memref<!tpu.dma_semaphore, #tpu.memory_space<semaphore_mem>>
      %dma_start3A = tpu.memref_slice %arg6[%mul3A_42] : memref<8192xf32, #tpu.memory_space<hbm>> -> memref<2048xf32, #tpu.memory_space<hbm>>
      %dma_start3A_97 = tpu.memref_slice %arg6[%mul3A_42] : memref<8192xf32, #tpu.memory_space<hbm>> -> memref<2048xf32, #tpu.memory_space<hbm>>
      tpu.enqueue_dma source(%dma_start3A_97 : memref<2048xf32, #tpu.memory_space<hbm>>) target(%arg12 : memref<2048xf32, #tpu.memory_space<vmem>>) target_semaphore(%run_scoped3A_96 : memref<!tpu.dma_semaphore, #tpu.memory_space<semaphore_mem>>)
      %dma_wait3A = tpu.memref_slice %arg6[%mul3A_42] : memref<8192xf32, #tpu.memory_space<hbm>> -> memref<2048xf32, #tpu.memory_space<hbm>>
      %dma_wait3A_98 = tpu.memref_slice %arg6[%mul3A_42] : memref<8192xf32, #tpu.memory_space<hbm>> -> memref<2048xf32, #tpu.memory_space<hbm>>
      tpu.wait_dma2 semaphore(%run_scoped3A_96 : memref<!tpu.dma_semaphore, #tpu.memory_space<semaphore_mem>>) src(%dma_wait3A_98 : memref<2048xf32, #tpu.memory_space<hbm>>) dst(%arg12 : memref<2048xf32, #tpu.memory_space<vmem>>)
      tpu.yield
    }) : () -> ()
    %iota3A = tpu.iota {dimensions = array<i32: 0>} : vector<16xi32>
    %broadcast_in_dim3A = arith.constant -1.000000e+09 : f32
    %broadcast_in_dim3A_43 = vector.broadcast %broadcast_in_dim3A : f32 to vector<16xf32>
    %broadcast_in_dim3A_44 = arith.constant 1.000000e+09 : f32
    %broadcast_in_dim3A_45 = vector.broadcast %broadcast_in_dim3A_44 : f32 to vector<16xf32>
    %scan3A = arith.constant 0 : i32
    %scan3A_46 = arith.constant 0 : i32
    %scan3A_47 = arith.constant 32 : i32
    %scan3A_48 = arith.addi %scan3A_46, %scan3A_47 : i32
    %scan3A_49 = arith.constant 1 : i32
    scf.for %scan3A_96 = %scan3A_46 to %scan3A_48 step %scan3A_49  : i32 {
      %mul3A_97 = arith.constant 16 : i32
      %mul3A_98 = arith.muli %scan3A_96, %mul3A_97 : i32
      %add3A_99 = vector.broadcast %mul3A_98 : i32 to vector<16xi32>
      %add3A_100 = arith.addi %add3A_99, %iota3A : vector<16xi32>
      %mul3A_101 = arith.constant 4 : i32
      %mul3A_102 = vector.broadcast %mul3A_101 : i32 to vector<16xi32>
      %mul3A_103 = arith.muli %add3A_100, %mul3A_102 : vector<16xi32>
      %gather3A = tpu.vector_load_idx %arg12[%mul3A_103] : memref<2048xf32, #tpu.memory_space<vmem>>[vector<16xi32>], vector<16xf32>,
      %add3A_104 = arith.constant 1 : i32
      %add3A_105 = vector.broadcast %add3A_104 : i32 to vector<16xi32>
      %add3A_106 = arith.addi %mul3A_103, %add3A_105 : vector<16xi32>
      %gather3A_107 = tpu.vector_load_idx %arg12[%add3A_106] : memref<2048xf32, #tpu.memory_space<vmem>>[vector<16xi32>], vector<16xf32>,
      %add3A_108 = arith.constant 2 : i32
      %add3A_109 = vector.broadcast %add3A_108 : i32 to vector<16xi32>
      %add3A_110 = arith.addi %mul3A_103, %add3A_109 : vector<16xi32>
      %gather3A_111 = tpu.vector_load_idx %arg12[%add3A_110] : memref<2048xf32, #tpu.memory_space<vmem>>[vector<16xi32>], vector<16xf32>,
      %add3A_112 = arith.constant 3 : i32
      %add3A_113 = vector.broadcast %add3A_112 : i32 to vector<16xi32>
      %add3A_114 = arith.addi %mul3A_103, %add3A_113 : vector<16xi32>
      %gather3A_115 = tpu.vector_load_idx %arg12[%add3A_114] : memref<2048xf32, #tpu.memory_space<vmem>>[vector<16xi32>], vector<16xf32>,
      %mul3A_116 = arith.constant 16 : i32
      %mul3A_117 = arith.muli %scan3A_96, %mul3A_116 : i32
      %sub3A_118 = arith.subf %gather3A, %gather3A_111 : vector<16xf32>
      %swap3A = arith.index_cast %mul3A_117 : i32 to index
      %swap3A_119 = tpu.vector_load %arg13[%swap3A] {strides = array<i32>} : memref<512xf32, #tpu.memory_space<vmem>>, vector<16xf32>,
      tpu.vector_store %arg13[%swap3A], %sub3A_118 {strides = array<i32>} : memref<512xf32, #tpu.memory_space<vmem>>, vector<16xf32>,
      %sub3A_120 = arith.subf %gather3A_107, %gather3A_115 : vector<16xf32>
      %swap3A_121 = arith.index_cast %mul3A_117 : i32 to index
      %swap3A_122 = tpu.vector_load %arg14[%swap3A_121] {strides = array<i32>} : memref<512xf32, #tpu.memory_space<vmem>>, vector<16xf32>,
      tpu.vector_store %arg14[%swap3A_121], %sub3A_120 {strides = array<i32>} : memref<512xf32, #tpu.memory_space<vmem>>, vector<16xf32>,
    }
    %scan3A_50 = arith.constant 32 : i32
    %scan3A_51 = arith.constant 0 : i32
    %scan3A_52 = arith.constant 0 : i32
    %scan3A_53 = arith.constant 16 : i32
    %scan3A_54 = arith.addi %scan3A_52, %scan3A_53 : i32
    %scan3A_55 = arith.constant 1 : i32
    scf.for %scan3A_96 = %scan3A_52 to %scan3A_54 step %scan3A_55  : i32 {
      %mul3A_97 = arith.constant 256 : i32
      %mul3A_98 = arith.muli %scan3A_96, %mul3A_97 : i32
      %mul3A_99 = arith.constant 16 : i32
      %mul3A_100 = vector.broadcast %mul3A_99 : i32 to vector<16xi32>
      %mul3A_101 = arith.muli %iota3A, %mul3A_100 : vector<16xi32>
      %add3A_102 = vector.broadcast %mul3A_98 : i32 to vector<16xi32>
      %add3A_103 = arith.addi %add3A_102, %mul3A_101 : vector<16xi32>
      %broadcast_in_dim3A_104 = arith.constant 0.000000e+00 : f32
      %broadcast_in_dim3A_105 = vector.broadcast %broadcast_in_dim3A_104 : f32 to vector<16xf32>
      %add3A_106 = arith.constant 0 : i32
      %add3A_107 = vector.broadcast %add3A_106 : i32 to vector<16xi32>
      %add3A_108 = arith.addi %add3A_103, %add3A_107 : vector<16xi32>
      %gather3A = tpu.vector_load_idx %arg8[%add3A_108] : memref<4096xi32, #tpu.memory_space<vmem>>[vector<16xi32>], vector<16xi32>,
      %ge3A = arith.constant 0 : i32
      %ge3A_109 = vector.broadcast %ge3A : i32 to vector<16xi32>
      %ge3A_110 = arith.cmpi sge, %gather3A, %ge3A_109 : vector<16xi32>
      %max3A = arith.constant 0 : i32
      %max3A_111 = vector.broadcast %max3A : i32 to vector<16xi32>
      %max3A_112 = arith.maxsi %gather3A, %max3A_111 : vector<16xi32>
      %gather3A_113 = tpu.vector_load_idx %arg9[%max3A_112] : memref<8192xi32, #tpu.memory_space<vmem>>[vector<16xi32>], vector<16xi32>,
      %add3A_114 = arith.addi %gather3A_113, %gather3A_113 : vector<16xi32>
      %gather3A_115 = tpu.vector_load_idx %arg11[%add3A_114] : memref<1024xf32, #tpu.memory_space<vmem>>[vector<16xi32>], vector<16xf32>,
      %add3A_116 = arith.constant 1 : i32
      %add3A_117 = vector.broadcast %add3A_116 : i32 to vector<16xi32>
      %add3A_118 = arith.addi %add3A_114, %add3A_117 : vector<16xi32>
      %gather3A_119 = tpu.vector_load_idx %arg11[%add3A_118] : memref<1024xf32, #tpu.memory_space<vmem>>[vector<16xi32>], vector<16xf32>,
      %gather3A_120 = tpu.vector_load_idx %arg13[%gather3A_113] : memref<512xf32, #tpu.memory_space<vmem>>[vector<16xi32>], vector<16xf32>,
      %gather3A_121 = tpu.vector_load_idx %arg14[%gather3A_113] : memref<512xf32, #tpu.memory_space<vmem>>[vector<16xi32>], vector<16xf32>,
      %add3A_122 = arith.addi %max3A_112, %max3A_112 : vector<16xi32>
      %gather3A_123 = tpu.vector_load_idx %arg10[%add3A_122] : memref<16384xf32, #tpu.memory_space<vmem>>[vector<16xi32>], vector<16xf32>,
      %add3A_124 = arith.constant 1 : i32
      %add3A_125 = vector.broadcast %add3A_124 : i32 to vector<16xi32>
      %add3A_126 = arith.addi %add3A_122, %add3A_125 : vector<16xi32>
      %gather3A_127 = tpu.vector_load_idx %arg10[%add3A_126] : memref<16384xf32, #tpu.memory_space<vmem>>[vector<16xi32>], vector<16xf32>,
      %mul3A_128 = arith.mulf %gather3A_120, %gather3A_123 : vector<16xf32>
      %add3A_129 = arith.addf %gather3A_115, %mul3A_128 : vector<16xf32>
      %mul3A_130 = arith.mulf %gather3A_121, %gather3A_127 : vector<16xf32>
      %sub3A_131 = arith.subf %add3A_129, %mul3A_130 : vector<16xf32>
      %mul3A_132 = arith.mulf %gather3A_121, %gather3A_123 : vector<16xf32>
      %add3A_133 = arith.addf %gather3A_119, %mul3A_132 : vector<16xf32>
      %mul3A_134 = arith.mulf %gather3A_120, %gather3A_127 : vector<16xf32>
      %add3A_135 = arith.addf %add3A_133, %mul3A_134 : vector<16xf32>
      %select_n3A_136 = arith.select %ge3A_110, %sub3A_131, %broadcast_in_dim3A_43 : vector<16xi1>, vector<16xf32>
      %select_n3A_137 = arith.select %ge3A_110, %sub3A_131, %broadcast_in_dim3A_45 : vector<16xi1>, vector<16xf32>
      %select_n3A_138 = arith.select %ge3A_110, %add3A_135, %broadcast_in_dim3A_43 : vector<16xi1>, vector<16xf32>
      %select_n3A_139 = arith.select %ge3A_110, %add3A_135, %broadcast_in_dim3A_45 : vector<16xi1>, vector<16xf32>
      %mul3A_140 = arith.constant 1.000000e+01 : f32
      %mul3A_141 = vector.broadcast %mul3A_140 : f32 to vector<16xf32>
      %mul3A_142 = arith.mulf %mul3A_141, %select_n3A_136 : vector<16xf32>
      %exp3A = math.exp %mul3A_142 : vector<16xf32>
      %add3A_143 = arith.addf %broadcast_in_dim3A_105, %exp3A : vector<16xf32>
      %mul3A_144 = arith.constant -1.000000e+01 : f32
      %mul3A_145 = vector.broadcast %mul3A_144 : f32 to vector<16xf32>
      %mul3A_146 = arith.mulf %mul3A_145, %select_n3A_137 : vector<16xf32>
      %exp3A_147 = math.exp %mul3A_146 : vector<16xf32>
      %add3A_148 = arith.addf %broadcast_in_dim3A_105, %exp3A_147 : vector<16xf32>
      %mul3A_149 = arith.constant 1.000000e+01 : f32
      %mul3A_150 = vector.broadcast %mul3A_149 : f32 to vector<16xf32>
      %mul3A_151 = arith.mulf %mul3A_150, %select_n3A_138 : vector<16xf32>
      %exp3A_152 = math.exp %mul3A_151 : vector<16xf32>
      %add3A_153 = arith.addf %broadcast_in_dim3A_105, %exp3A_152 : vector<16xf32>
      %mul3A_154 = arith.constant -1.000000e+01 : f32
      %mul3A_155 = vector.broadcast %mul3A_154 : f32 to vector<16xf32>
      %mul3A_156 = arith.mulf %mul3A_155, %select_n3A_139 : vector<16xf32>
      %exp3A_157 = math.exp %mul3A_156 : vector<16xf32>
      %add3A_158 = arith.addf %broadcast_in_dim3A_105, %exp3A_157 : vector<16xf32>
      %max3A_159 = arith.maximumf %broadcast_in_dim3A_43, %select_n3A_136 : vector<16xf32>
      %min3A = arith.minimumf %broadcast_in_dim3A_45, %select_n3A_137 : vector<16xf32>
      %max3A_160 = arith.maximumf %broadcast_in_dim3A_43, %select_n3A_138 : vector<16xf32>
      %min3A_161 = arith.minimumf %broadcast_in_dim3A_45, %select_n3A_139 : vector<16xf32>
      %add3A_162 = arith.constant 1 : i32
      %add3A_163 = vector.broadcast %add3A_162 : i32 to vector<16xi32>
      %add3A_164 = arith.addi %add3A_103, %add3A_163 : vector<16xi32>
      %gather3A_165 = tpu.vector_load_idx %arg8[%add3A_164] : memref<4096xi32, #tpu.memory_space<vmem>>[vector<16xi32>], vector<16xi32>,
      %ge3A_166 = arith.constant 0 : i32
      %ge3A_167 = vector.broadcast %ge3A_166 : i32 to vector<16xi32>
      %ge3A_168 = arith.cmpi sge, %gather3A_165, %ge3A_167 : vector<16xi32>
      %max3A_169 = arith.constant 0 : i32
      %max3A_170 = vector.broadcast %max3A_169 : i32 to vector<16xi32>
      %max3A_171 = arith.maxsi %gather3A_165, %max3A_170 : vector<16xi32>
      %gather3A_172 = tpu.vector_load_idx %arg9[%max3A_171] : memref<8192xi32, #tpu.memory_space<vmem>>[vector<16xi32>], vector<16xi32>,
      %add3A_173 = arith.addi %gather3A_172, %gather3A_172 : vector<16xi32>
      %gather3A_174 = tpu.vector_load_idx %arg11[%add3A_173] : memref<1024xf32, #tpu.memory_space<vmem>>[vector<16xi32>], vector<16xf32>,
      %add3A_175 = arith.constant 1 : i32
      %add3A_176 = vector.broadcast %add3A_175 : i32 to vector<16xi32>
      %add3A_177 = arith.addi %add3A_173, %add3A_176 : vector<16xi32>
      %gather3A_178 = tpu.vector_load_idx %arg11[%add3A_177] : memref<1024xf32, #tpu.memory_space<vmem>>[vector<16xi32>], vector<16xf32>,
      %gather3A_179 = tpu.vector_load_idx %arg13[%gather3A_172] : memref<512xf32, #tpu.memory_space<vmem>>[vector<16xi32>], vector<16xf32>,
      %gather3A_180 = tpu.vector_load_idx %arg14[%gather3A_172] : memref<512xf32, #tpu.memory_space<vmem>>[vector<16xi32>], vector<16xf32>,
      %add3A_181 = arith.addi %max3A_171, %max3A_171 : vector<16xi32>
      %gather3A_182 = tpu.vector_load_idx %arg10[%add3A_181] : memref<16384xf32, #tpu.memory_space<vmem>>[vector<16xi32>], vector<16xf32>,
      %add3A_183 = arith.constant 1 : i32
      %add3A_184 = vector.broadcast %add3A_183 : i32 to vector<16xi32>
      %add3A_185 = arith.addi %add3A_181, %add3A_184 : vector<16xi32>
      %gather3A_186 = tpu.vector_load_idx %arg10[%add3A_185] : memref<16384xf32, #tpu.memory_space<vmem>>[vector<16xi32>], vector<16xf32>,
      %mul3A_187 = arith.mulf %gather3A_179, %gather3A_182 : vector<16xf32>
      %add3A_188 = arith.addf %gather3A_174, %mul3A_187 : vector<16xf32>
      %mul3A_189 = arith.mulf %gather3A_180, %gather3A_186 : vector<16xf32>
      %sub3A_190 = arith.subf %add3A_188, %mul3A_189 : vector<16xf32>
      %mul3A_191 = arith.mulf %gather3A_180, %gather3A_182 : vector<16xf32>
      %add3A_192 = arith.addf %gather3A_178, %mul3A_191 : vector<16xf32>
      %mul3A_193 = arith.mulf %gather3A_179, %gather3A_186 : vector<16xf32>
      %add3A_194 = arith.addf %add3A_192, %mul3A_193 : vector<16xf32>
      %select_n3A_195 = arith.select %ge3A_168, %sub3A_190, %broadcast_in_dim3A_43 : vector<16xi1>, vector<16xf32>
      %select_n3A_196 = arith.select %ge3A_168, %sub3A_190, %broadcast_in_dim3A_45 : vector<16xi1>, vector<16xf32>
      %select_n3A_197 = arith.select %ge3A_168, %add3A_194, %broadcast_in_dim3A_43 : vector<16xi1>, vector<16xf32>
      %select_n3A_198 = arith.select %ge3A_168, %add3A_194, %broadcast_in_dim3A_45 : vector<16xi1>, vector<16xf32>
      %mul3A_199 = arith.constant 1.000000e+01 : f32
      %mul3A_200 = vector.broadcast %mul3A_199 : f32 to vector<16xf32>
      %mul3A_201 = arith.mulf %mul3A_200, %select_n3A_195 : vector<16xf32>
      %exp3A_202 = math.exp %mul3A_201 : vector<16xf32>
      %add3A_203 = arith.addf %add3A_143, %exp3A_202 : vector<16xf32>
      %mul3A_204 = arith.constant -1.000000e+01 : f32
      %mul3A_205 = vector.broadcast %mul3A_204 : f32 to vector<16xf32>
      %mul3A_206 = arith.mulf %mul3A_205, %select_n3A_196 : vector<16xf32>
      %exp3A_207 = math.exp %mul3A_206 : vector<16xf32>
      %add3A_208 = arith.addf %add3A_148, %exp3A_207 : vector<16xf32>
      %mul3A_209 = arith.constant 1.000000e+01 : f32
      %mul3A_210 = vector.broadcast %mul3A_209 : f32 to vector<16xf32>
      %mul3A_211 = arith.mulf %mul3A_210, %select_n3A_197 : vector<16xf32>
      %exp3A_212 = math.exp %mul3A_211 : vector<16xf32>
      %add3A_213 = arith.addf %add3A_153, %exp3A_212 : vector<16xf32>
      %mul3A_214 = arith.constant -1.000000e+01 : f32
      %mul3A_215 = vector.broadcast %mul3A_214 : f32 to vector<16xf32>
      %mul3A_216 = arith.mulf %mul3A_215, %select_n3A_198 : vector<16xf32>
      %exp3A_217 = math.exp %mul3A_216 : vector<16xf32>
      %add3A_218 = arith.addf %add3A_158, %exp3A_217 : vector<16xf32>
      %max3A_219 = arith.maximumf %max3A_159, %select_n3A_195 : vector<16xf32>
      %min3A_220 = arith.minimumf %min3A, %select_n3A_196 : vector<16xf32>
      %max3A_221 = arith.maximumf %max3A_160, %select_n3A_197 : vector<16xf32>
      %min3A_222 = arith.minimumf %min3A_161, %select_n3A_198 : vector<16xf32>
      %add3A_223 = arith.constant 2 : i32
      %add3A_224 = vector.broadcast %add3A_223 : i32 to vector<16xi32>
      %add3A_225 = arith.addi %add3A_103, %add3A_224 : vector<16xi32>
      %gather3A_226 = tpu.vector_load_idx %arg8[%add3A_225] : memref<4096xi32, #tpu.memory_space<vmem>>[vector<16xi32>], vector<16xi32>,
      %ge3A_227 = arith.constant 0 : i32
      %ge3A_228 = vector.broadcast %ge3A_227 : i32 to vector<16xi32>
      %ge3A_229 = arith.cmpi sge, %gather3A_226, %ge3A_228 : vector<16xi32>
      %max3A_230 = arith.constant 0 : i32
      %max3A_231 = vector.broadcast %max3A_230 : i32 to vector<16xi32>
      %max3A_232 = arith.maxsi %gather3A_226, %max3A_231 : vector<16xi32>
      %gather3A_233 = tpu.vector_load_idx %arg9[%max3A_232] : memref<8192xi32, #tpu.memory_space<vmem>>[vector<16xi32>], vector<16xi32>,
      %add3A_234 = arith.addi %gather3A_233, %gather3A_233 : vector<16xi32>
      %gather3A_235 = tpu.vector_load_idx %arg11[%add3A_234] : memref<1024xf32, #tpu.memory_space<vmem>>[vector<16xi32>], vector<16xf32>,
      %add3A_236 = arith.constant 1 : i32
      %add3A_237 = vector.broadcast %add3A_236 : i32 to vector<16xi32>
      %add3A_238 = arith.addi %add3A_234, %add3A_237 : vector<16xi32>
      %gather3A_239 = tpu.vector_load_idx %arg11[%add3A_238] : memref<1024xf32, #tpu.memory_space<vmem>>[vector<16xi32>], vector<16xf32>,
      %gather3A_240 = tpu.vector_load_idx %arg13[%gather3A_233] : memref<512xf32, #tpu.memory_space<vmem>>[vector<16xi32>], vector<16xf32>,
      %gather3A_241 = tpu.vector_load_idx %arg14[%gather3A_233] : memref<512xf32, #tpu.memory_space<vmem>>[vector<16xi32>], vector<16xf32>,
      %add3A_242 = arith.addi %max3A_232, %max3A_232 : vector<16xi32>
      %gather3A_243 = tpu.vector_load_idx %arg10[%add3A_242] : memref<16384xf32, #tpu.memory_space<vmem>>[vector<16xi32>], vector<16xf32>,
      %add3A_244 = arith.constant 1 : i32
      %add3A_245 = vector.broadcast %add3A_244 : i32 to vector<16xi32>
      %add3A_246 = arith.addi %add3A_242, %add3A_245 : vector<16xi32>
      %gather3A_247 = tpu.vector_load_idx %arg10[%add3A_246] : memref<16384xf32, #tpu.memory_space<vmem>>[vector<16xi32>], vector<16xf32>,
      %mul3A_248 = arith.mulf %gather3A_240, %gather3A_243 : vector<16xf32>
      %add3A_249 = arith.addf %gather3A_235, %mul3A_248 : vector<16xf32>
      %mul3A_250 = arith.mulf %gather3A_241, %gather3A_247 : vector<16xf32>
      %sub3A_251 = arith.subf %add3A_249, %mul3A_250 : vector<16xf32>
      %mul3A_252 = arith.mulf %gather3A_241, %gather3A_243 : vector<16xf32>
      %add3A_253 = arith.addf %gather3A_239, %mul3A_252 : vector<16xf32>
      %mul3A_254 = arith.mulf %gather3A_240, %gather3A_247 : vector<16xf32>
      %add3A_255 = arith.addf %add3A_253, %mul3A_254 : vector<16xf32>
      %select_n3A_256 = arith.select %ge3A_229, %sub3A_251, %broadcast_in_dim3A_43 : vector<16xi1>, vector<16xf32>
      %select_n3A_257 = arith.select %ge3A_229, %sub3A_251, %broadcast_in_dim3A_45 : vector<16xi1>, vector<16xf32>
      %select_n3A_258 = arith.select %ge3A_229, %add3A_255, %broadcast_in_dim3A_43 : vector<16xi1>, vector<16xf32>
      %select_n3A_259 = arith.select %ge3A_229, %add3A_255, %broadcast_in_dim3A_45 : vector<16xi1>, vector<16xf32>
      %mul3A_260 = arith.constant 1.000000e+01 : f32
      %mul3A_261 = vector.broadcast %mul3A_260 : f32 to vector<16xf32>
      %mul3A_262 = arith.mulf %mul3A_261, %select_n3A_256 : vector<16xf32>
      %exp3A_263 = math.exp %mul3A_262 : vector<16xf32>
      %add3A_264 = arith.addf %add3A_203, %exp3A_263 : vector<16xf32>
      %mul3A_265 = arith.constant -1.000000e+01 : f32
      %mul3A_266 = vector.broadcast %mul3A_265 : f32 to vector<16xf32>
      %mul3A_267 = arith.mulf %mul3A_266, %select_n3A_257 : vector<16xf32>
      %exp3A_268 = math.exp %mul3A_267 : vector<16xf32>
      %add3A_269 = arith.addf %add3A_208, %exp3A_268 : vector<16xf32>
      %mul3A_270 = arith.constant 1.000000e+01 : f32
      %mul3A_271 = vector.broadcast %mul3A_270 : f32 to vector<16xf32>
      %mul3A_272 = arith.mulf %mul3A_271, %select_n3A_258 : vector<16xf32>
      %exp3A_273 = math.exp %mul3A_272 : vector<16xf32>
      %add3A_274 = arith.addf %add3A_213, %exp3A_273 : vector<16xf32>
      %mul3A_275 = arith.constant -1.000000e+01 : f32
      %mul3A_276 = vector.broadcast %mul3A_275 : f32 to vector<16xf32>
      %mul3A_277 = arith.mulf %mul3A_276, %select_n3A_259 : vector<16xf32>
      %exp3A_278 = math.exp %mul3A_277 : vector<16xf32>
      %add3A_279 = arith.addf %add3A_218, %exp3A_278 : vector<16xf32>
      %max3A_280 = arith.maximumf %max3A_219, %select_n3A_256 : vector<16xf32>
      %min3A_281 = arith.minimumf %min3A_220, %select_n3A_257 : vector<16xf32>
      %max3A_282 = arith.maximumf %max3A_221, %select_n3A_258 : vector<16xf32>
      %min3A_283 = arith.minimumf %min3A_222, %select_n3A_259 : vector<16xf32>
      %add3A_284 = arith.constant 3 : i32
      %add3A_285 = vector.broadcast %add3A_284 : i32 to vector<16xi32>
      %add3A_286 = arith.addi %add3A_103, %add3A_285 : vector<16xi32>
      %gather3A_287 = tpu.vector_load_idx %arg8[%add3A_286] : memref<4096xi32, #tpu.memory_space<vmem>>[vector<16xi32>], vector<16xi32>,
      %ge3A_288 = arith.constant 0 : i32
      %ge3A_289 = vector.broadcast %ge3A_288 : i32 to vector<16xi32>
      %ge3A_290 = arith.cmpi sge, %gather3A_287, %ge3A_289 : vector<16xi32>
      %max3A_291 = arith.constant 0 : i32
      %max3A_292 = vector.broadcast %max3A_291 : i32 to vector<16xi32>
      %max3A_293 = arith.maxsi %gather3A_287, %max3A_292 : vector<16xi32>
      %gather3A_294 = tpu.vector_load_idx %arg9[%max3A_293] : memref<8192xi32, #tpu.memory_space<vmem>>[vector<16xi32>], vector<16xi32>,
      %add3A_295 = arith.addi %gather3A_294, %gather3A_294 : vector<16xi32>
      %gather3A_296 = tpu.vector_load_idx %arg11[%add3A_295] : memref<1024xf32, #tpu.memory_space<vmem>>[vector<16xi32>], vector<16xf32>,
      %add3A_297 = arith.constant 1 : i32
      %add3A_298 = vector.broadcast %add3A_297 : i32 to vector<16xi32>
      %add3A_299 = arith.addi %add3A_295, %add3A_298 : vector<16xi32>
      %gather3A_300 = tpu.vector_load_idx %arg11[%add3A_299] : memref<1024xf32, #tpu.memory_space<vmem>>[vector<16xi32>], vector<16xf32>,
      %gather3A_301 = tpu.vector_load_idx %arg13[%gather3A_294] : memref<512xf32, #tpu.memory_space<vmem>>[vector<16xi32>], vector<16xf32>,
      %gather3A_302 = tpu.vector_load_idx %arg14[%gather3A_294] : memref<512xf32, #tpu.memory_space<vmem>>[vector<16xi32>], vector<16xf32>,
      %add3A_303 = arith.addi %max3A_293, %max3A_293 : vector<16xi32>
      %gather3A_304 = tpu.vector_load_idx %arg10[%add3A_303] : memref<16384xf32, #tpu.memory_space<vmem>>[vector<16xi32>], vector<16xf32>,
      %add3A_305 = arith.constant 1 : i32
      %add3A_306 = vector.broadcast %add3A_305 : i32 to vector<16xi32>
      %add3A_307 = arith.addi %add3A_303, %add3A_306 : vector<16xi32>
      %gather3A_308 = tpu.vector_load_idx %arg10[%add3A_307] : memref<16384xf32, #tpu.memory_space<vmem>>[vector<16xi32>], vector<16xf32>,
      %mul3A_309 = arith.mulf %gather3A_301, %gather3A_304 : vector<16xf32>
      %add3A_310 = arith.addf %gather3A_296, %mul3A_309 : vector<16xf32>
      %mul3A_311 = arith.mulf %gather3A_302, %gather3A_308 : vector<16xf32>
      %sub3A_312 = arith.subf %add3A_310, %mul3A_311 : vector<16xf32>
      %mul3A_313 = arith.mulf %gather3A_302, %gather3A_304 : vector<16xf32>
      %add3A_314 = arith.addf %gather3A_300, %mul3A_313 : vector<16xf32>
      %mul3A_315 = arith.mulf %gather3A_301, %gather3A_308 : vector<16xf32>
      %add3A_316 = arith.addf %add3A_314, %mul3A_315 : vector<16xf32>
      %select_n3A_317 = arith.select %ge3A_290, %sub3A_312, %broadcast_in_dim3A_43 : vector<16xi1>, vector<16xf32>
      %select_n3A_318 = arith.select %ge3A_290, %sub3A_312, %broadcast_in_dim3A_45 : vector<16xi1>, vector<16xf32>
      %select_n3A_319 = arith.select %ge3A_290, %add3A_316, %broadcast_in_dim3A_43 : vector<16xi1>, vector<16xf32>
      %select_n3A_320 = arith.select %ge3A_290, %add3A_316, %broadcast_in_dim3A_45 : vector<16xi1>, vector<16xf32>
      %mul3A_321 = arith.constant 1.000000e+01 : f32
      %mul3A_322 = vector.broadcast %mul3A_321 : f32 to vector<16xf32>
      %mul3A_323 = arith.mulf %mul3A_322, %select_n3A_317 : vector<16xf32>
      %exp3A_324 = math.exp %mul3A_323 : vector<16xf32>
      %add3A_325 = arith.addf %add3A_264, %exp3A_324 : vector<16xf32>
      %mul3A_326 = arith.constant -1.000000e+01 : f32
      %mul3A_327 = vector.broadcast %mul3A_326 : f32 to vector<16xf32>
      %mul3A_328 = arith.mulf %mul3A_327, %select_n3A_318 : vector<16xf32>
      %exp3A_329 = math.exp %mul3A_328 : vector<16xf32>
      %add3A_330 = arith.addf %add3A_269, %exp3A_329 : vector<16xf32>
      %mul3A_331 = arith.constant 1.000000e+01 : f32
      %mul3A_332 = vector.broadcast %mul3A_331 : f32 to vector<16xf32>
      %mul3A_333 = arith.mulf %mul3A_332, %select_n3A_319 : vector<16xf32>
      %exp3A_334 = math.exp %mul3A_333 : vector<16xf32>
      %add3A_335 = arith.addf %add3A_274, %exp3A_334 : vector<16xf32>
      %mul3A_336 = arith.constant -1.000000e+01 : f32
      %mul3A_337 = vector.broadcast %mul3A_336 : f32 to vector<16xf32>
      %mul3A_338 = arith.mulf %mul3A_337, %select_n3A_320 : vector<16xf32>
      %exp3A_339 = math.exp %mul3A_338 : vector<16xf32>
      %add3A_340 = arith.addf %add3A_279, %exp3A_339 : vector<16xf32>
      %max3A_341 = arith.maximumf %max3A_280, %select_n3A_317 : vector<16xf32>
      %min3A_342 = arith.minimumf %min3A_281, %select_n3A_318 : vector<16xf32>
      %max3A_343 = arith.maximumf %max3A_282, %select_n3A_319 : vector<16xf32>
      %min3A_344 = arith.minimumf %min3A_283, %select_n3A_320 : vector<16xf32>
      %add3A_345 = arith.constant 4 : i32
      %add3A_346 = vector.broadcast %add3A_345 : i32 to vector<16xi32>
      %add3A_347 = arith.addi %add3A_103, %add3A_346 : vector<16xi32>
      %gather3A_348 = tpu.vector_load_idx %arg8[%add3A_347] : memref<4096xi32, #tpu.memory_space<vmem>>[vector<16xi32>], vector<16xi32>,
      %ge3A_349 = arith.constant 0 : i32
      %ge3A_350 = vector.broadcast %ge3A_349 : i32 to vector<16xi32>
      %ge3A_351 = arith.cmpi sge, %gather3A_348, %ge3A_350 : vector<16xi32>
      %max3A_352 = arith.constant 0 : i32
      %max3A_353 = vector.broadcast %max3A_352 : i32 to vector<16xi32>
      %max3A_354 = arith.maxsi %gather3A_348, %max3A_353 : vector<16xi32>
      %gather3A_355 = tpu.vector_load_idx %arg9[%max3A_354] : memref<8192xi32, #tpu.memory_space<vmem>>[vector<16xi32>], vector<16xi32>,
      %add3A_356 = arith.addi %gather3A_355, %gather3A_355 : vector<16xi32>
      %gather3A_357 = tpu.vector_load_idx %arg11[%add3A_356] : memref<1024xf32, #tpu.memory_space<vmem>>[vector<16xi32>], vector<16xf32>,
      %add3A_358 = arith.constant 1 : i32
      %add3A_359 = vector.broadcast %add3A_358 : i32 to vector<16xi32>
      %add3A_360 = arith.addi %add3A_356, %add3A_359 : vector<16xi32>
      %gather3A_361 = tpu.vector_load_idx %arg11[%add3A_360] : memref<1024xf32, #tpu.memory_space<vmem>>[vector<16xi32>], vector<16xf32>,
      %gather3A_362 = tpu.vector_load_idx %arg13[%gather3A_355] : memref<512xf32, #tpu.memory_space<vmem>>[vector<16xi32>], vector<16xf32>,
      %gather3A_363 = tpu.vector_load_idx %arg14[%gather3A_355] : memref<512xf32, #tpu.memory_space<vmem>>[vector<16xi32>], vector<16xf32>,
      %add3A_364 = arith.addi %max3A_354, %max3A_354 : vector<16xi32>
      %gather3A_365 = tpu.vector_load_idx %arg10[%add3A_364] : memref<16384xf32, #tpu.memory_space<vmem>>[vector<16xi32>], vector<16xf32>,
      %add3A_366 = arith.constant 1 : i32
      %add3A_367 = vector.broadcast %add3A_366 : i32 to vector<16xi32>
      %add3A_368 = arith.addi %add3A_364, %add3A_367 : vector<16xi32>
      %gather3A_369 = tpu.vector_load_idx %arg10[%add3A_368] : memref<16384xf32, #tpu.memory_space<vmem>>[vector<16xi32>], vector<16xf32>,
      %mul3A_370 = arith.mulf %gather3A_362, %gather3A_365 : vector<16xf32>
      %add3A_371 = arith.addf %gather3A_357, %mul3A_370 : vector<16xf32>
      %mul3A_372 = arith.mulf %gather3A_363, %gather3A_369 : vector<16xf32>
      %sub3A_373 = arith.subf %add3A_371, %mul3A_372 : vector<16xf32>
      %mul3A_374 = arith.mulf %gather3A_363, %gather3A_365 : vector<16xf32>
      %add3A_375 = arith.addf %gather3A_361, %mul3A_374 : vector<16xf32>
      %mul3A_376 = arith.mulf %gather3A_362, %gather3A_369 : vector<16xf32>
      %add3A_377 = arith.addf %add3A_375, %mul3A_376 : vector<16xf32>
      %select_n3A_378 = arith.select %ge3A_351, %sub3A_373, %broadcast_in_dim3A_43 : vector<16xi1>, vector<16xf32>
      %select_n3A_379 = arith.select %ge3A_351, %sub3A_373, %broadcast_in_dim3A_45 : vector<16xi1>, vector<16xf32>
      %select_n3A_380 = arith.select %ge3A_351, %add3A_377, %broadcast_in_dim3A_43 : vector<16xi1>, vector<16xf32>
      %select_n3A_381 = arith.select %ge3A_351, %add3A_377, %broadcast_in_dim3A_45 : vector<16xi1>, vector<16xf32>
      %mul3A_382 = arith.constant 1.000000e+01 : f32
      %mul3A_383 = vector.broadcast %mul3A_382 : f32 to vector<16xf32>
      %mul3A_384 = arith.mulf %mul3A_383, %select_n3A_378 : vector<16xf32>
      %exp3A_385 = math.exp %mul3A_384 : vector<16xf32>
      %add3A_386 = arith.addf %add3A_325, %exp3A_385 : vector<16xf32>
      %mul3A_387 = arith.constant -1.000000e+01 : f32
      %mul3A_388 = vector.broadcast %mul3A_387 : f32 to vector<16xf32>
      %mul3A_389 = arith.mulf %mul3A_388, %select_n3A_379 : vector<16xf32>
      %exp3A_390 = math.exp %mul3A_389 : vector<16xf32>
      %add3A_391 = arith.addf %add3A_330, %exp3A_390 : vector<16xf32>
      %mul3A_392 = arith.constant 1.000000e+01 : f32
      %mul3A_393 = vector.broadcast %mul3A_392 : f32 to vector<16xf32>
      %mul3A_394 = arith.mulf %mul3A_393, %select_n3A_380 : vector<16xf32>
      %exp3A_395 = math.exp %mul3A_394 : vector<16xf32>
      %add3A_396 = arith.addf %add3A_335, %exp3A_395 : vector<16xf32>
      %mul3A_397 = arith.constant -1.000000e+01 : f32
      %mul3A_398 = vector.broadcast %mul3A_397 : f32 to vector<16xf32>
      %mul3A_399 = arith.mulf %mul3A_398, %select_n3A_381 : vector<16xf32>
      %exp3A_400 = math.exp %mul3A_399 : vector<16xf32>
      %add3A_401 = arith.addf %add3A_340, %exp3A_400 : vector<16xf32>
      %max3A_402 = arith.maximumf %max3A_341, %select_n3A_378 : vector<16xf32>
      %min3A_403 = arith.minimumf %min3A_342, %select_n3A_379 : vector<16xf32>
      %max3A_404 = arith.maximumf %max3A_343, %select_n3A_380 : vector<16xf32>
      %min3A_405 = arith.minimumf %min3A_344, %select_n3A_381 : vector<16xf32>
      %add3A_406 = arith.constant 5 : i32
      %add3A_407 = vector.broadcast %add3A_406 : i32 to vector<16xi32>
      %add3A_408 = arith.addi %add3A_103, %add3A_407 : vector<16xi32>
      %gather3A_409 = tpu.vector_load_idx %arg8[%add3A_408] : memref<4096xi32, #tpu.memory_space<vmem>>[vector<16xi32>], vector<16xi32>,
      %ge3A_410 = arith.constant 0 : i32
      %ge3A_411 = vector.broadcast %ge3A_410 : i32 to vector<16xi32>
      %ge3A_412 = arith.cmpi sge, %gather3A_409, %ge3A_411 : vector<16xi32>
      %max3A_413 = arith.constant 0 : i32
      %max3A_414 = vector.broadcast %max3A_413 : i32 to vector<16xi32>
      %max3A_415 = arith.maxsi %gather3A_409, %max3A_414 : vector<16xi32>
      %gather3A_416 = tpu.vector_load_idx %arg9[%max3A_415] : memref<8192xi32, #tpu.memory_space<vmem>>[vector<16xi32>], vector<16xi32>,
      %add3A_417 = arith.addi %gather3A_416, %gather3A_416 : vector<16xi32>
      %gather3A_418 = tpu.vector_load_idx %arg11[%add3A_417] : memref<1024xf32, #tpu.memory_space<vmem>>[vector<16xi32>], vector<16xf32>,
      %add3A_419 = arith.constant 1 : i32
      %add3A_420 = vector.broadcast %add3A_419 : i32 to vector<16xi32>
      %add3A_421 = arith.addi %add3A_417, %add3A_420 : vector<16xi32>
      %gather3A_422 = tpu.vector_load_idx %arg11[%add3A_421] : memref<1024xf32, #tpu.memory_space<vmem>>[vector<16xi32>], vector<16xf32>,
      %gather3A_423 = tpu.vector_load_idx %arg13[%gather3A_416] : memref<512xf32, #tpu.memory_space<vmem>>[vector<16xi32>], vector<16xf32>,
      %gather3A_424 = tpu.vector_load_idx %arg14[%gather3A_416] : memref<512xf32, #tpu.memory_space<vmem>>[vector<16xi32>], vector<16xf32>,
      %add3A_425 = arith.addi %max3A_415, %max3A_415 : vector<16xi32>
      %gather3A_426 = tpu.vector_load_idx %arg10[%add3A_425] : memref<16384xf32, #tpu.memory_space<vmem>>[vector<16xi32>], vector<16xf32>,
      %add3A_427 = arith.constant 1 : i32
      %add3A_428 = vector.broadcast %add3A_427 : i32 to vector<16xi32>
      %add3A_429 = arith.addi %add3A_425, %add3A_428 : vector<16xi32>
      %gather3A_430 = tpu.vector_load_idx %arg10[%add3A_429] : memref<16384xf32, #tpu.memory_space<vmem>>[vector<16xi32>], vector<16xf32>,
      %mul3A_431 = arith.mulf %gather3A_423, %gather3A_426 : vector<16xf32>
      %add3A_432 = arith.addf %gather3A_418, %mul3A_431 : vector<16xf32>
      %mul3A_433 = arith.mulf %gather3A_424, %gather3A_430 : vector<16xf32>
      %sub3A_434 = arith.subf %add3A_432, %mul3A_433 : vector<16xf32>
      %mul3A_435 = arith.mulf %gather3A_424, %gather3A_426 : vector<16xf32>
      %add3A_436 = arith.addf %gather3A_422, %mul3A_435 : vector<16xf32>
      %mul3A_437 = arith.mulf %gather3A_423, %gather3A_430 : vector<16xf32>
      %add3A_438 = arith.addf %add3A_436, %mul3A_437 : vector<16xf32>
      %select_n3A_439 = arith.select %ge3A_412, %sub3A_434, %broadcast_in_dim3A_43 : vector<16xi1>, vector<16xf32>
      %select_n3A_440 = arith.select %ge3A_412, %sub3A_434, %broadcast_in_dim3A_45 : vector<16xi1>, vector<16xf32>
      %select_n3A_441 = arith.select %ge3A_412, %add3A_438, %broadcast_in_dim3A_43 : vector<16xi1>, vector<16xf32>
      %select_n3A_442 = arith.select %ge3A_412, %add3A_438, %broadcast_in_dim3A_45 : vector<16xi1>, vector<16xf32>
      %mul3A_443 = arith.constant 1.000000e+01 : f32
      %mul3A_444 = vector.broadcast %mul3A_443 : f32 to vector<16xf32>
      %mul3A_445 = arith.mulf %mul3A_444, %select_n3A_439 : vector<16xf32>
      %exp3A_446 = math.exp %mul3A_445 : vector<16xf32>
      %add3A_447 = arith.addf %add3A_386, %exp3A_446 : vector<16xf32>
      %mul3A_448 = arith.constant -1.000000e+01 : f32
      %mul3A_449 = vector.broadcast %mul3A_448 : f32 to vector<16xf32>
      %mul3A_450 = arith.mulf %mul3A_449, %select_n3A_440 : vector<16xf32>
      %exp3A_451 = math.exp %mul3A_450 : vector<16xf32>
      %add3A_452 = arith.addf %add3A_391, %exp3A_451 : vector<16xf32>
      %mul3A_453 = arith.constant 1.000000e+01 : f32
      %mul3A_454 = vector.broadcast %mul3A_453 : f32 to vector<16xf32>
      %mul3A_455 = arith.mulf %mul3A_454, %select_n3A_441 : vector<16xf32>
      %exp3A_456 = math.exp %mul3A_455 : vector<16xf32>
      %add3A_457 = arith.addf %add3A_396, %exp3A_456 : vector<16xf32>
      %mul3A_458 = arith.constant -1.000000e+01 : f32
      %mul3A_459 = vector.broadcast %mul3A_458 : f32 to vector<16xf32>
      %mul3A_460 = arith.mulf %mul3A_459, %select_n3A_442 : vector<16xf32>
      %exp3A_461 = math.exp %mul3A_460 : vector<16xf32>
      %add3A_462 = arith.addf %add3A_401, %exp3A_461 : vector<16xf32>
      %max3A_463 = arith.maximumf %max3A_402, %select_n3A_439 : vector<16xf32>
      %min3A_464 = arith.minimumf %min3A_403, %select_n3A_440 : vector<16xf32>
      %max3A_465 = arith.maximumf %max3A_404, %select_n3A_441 : vector<16xf32>
      %min3A_466 = arith.minimumf %min3A_405, %select_n3A_442 : vector<16xf32>
      %add3A_467 = arith.constant 6 : i32
      %add3A_468 = vector.broadcast %add3A_467 : i32 to vector<16xi32>
      %add3A_469 = arith.addi %add3A_103, %add3A_468 : vector<16xi32>
      %gather3A_470 = tpu.vector_load_idx %arg8[%add3A_469] : memref<4096xi32, #tpu.memory_space<vmem>>[vector<16xi32>], vector<16xi32>,
      %ge3A_471 = arith.constant 0 : i32
      %ge3A_472 = vector.broadcast %ge3A_471 : i32 to vector<16xi32>
      %ge3A_473 = arith.cmpi sge, %gather3A_470, %ge3A_472 : vector<16xi32>
      %max3A_474 = arith.constant 0 : i32
      %max3A_475 = vector.broadcast %max3A_474 : i32 to vector<16xi32>
      %max3A_476 = arith.maxsi %gather3A_470, %max3A_475 : vector<16xi32>
      %gather3A_477 = tpu.vector_load_idx %arg9[%max3A_476] : memref<8192xi32, #tpu.memory_space<vmem>>[vector<16xi32>], vector<16xi32>,
      %add3A_478 = arith.addi %gather3A_477, %gather3A_477 : vector<16xi32>
      %gather3A_479 = tpu.vector_load_idx %arg11[%add3A_478] : memref<1024xf32, #tpu.memory_space<vmem>>[vector<16xi32>], vector<16xf32>,
      %add3A_480 = arith.constant 1 : i32
      %add3A_481 = vector.broadcast %add3A_480 : i32 to vector<16xi32>
      %add3A_482 = arith.addi %add3A_478, %add3A_481 : vector<16xi32>
      %gather3A_483 = tpu.vector_load_idx %arg11[%add3A_482] : memref<1024xf32, #tpu.memory_space<vmem>>[vector<16xi32>], vector<16xf32>,
      %gather3A_484 = tpu.vector_load_idx %arg13[%gather3A_477] : memref<512xf32, #tpu.memory_space<vmem>>[vector<16xi32>], vector<16xf32>,
      %gather3A_485 = tpu.vector_load_idx %arg14[%gather3A_477] : memref<512xf32, #tpu.memory_space<vmem>>[vector<16xi32>], vector<16xf32>,
      %add3A_486 = arith.addi %max3A_476, %max3A_476 : vector<16xi32>
      %gather3A_487 = tpu.vector_load_idx %arg10[%add3A_486] : memref<16384xf32, #tpu.memory_space<vmem>>[vector<16xi32>], vector<16xf32>,
      %add3A_488 = arith.constant 1 : i32
      %add3A_489 = vector.broadcast %add3A_488 : i32 to vector<16xi32>
      %add3A_490 = arith.addi %add3A_486, %add3A_489 : vector<16xi32>
      %gather3A_491 = tpu.vector_load_idx %arg10[%add3A_490] : memref<16384xf32, #tpu.memory_space<vmem>>[vector<16xi32>], vector<16xf32>,
      %mul3A_492 = arith.mulf %gather3A_484, %gather3A_487 : vector<16xf32>
      %add3A_493 = arith.addf %gather3A_479, %mul3A_492 : vector<16xf32>
      %mul3A_494 = arith.mulf %gather3A_485, %gather3A_491 : vector<16xf32>
      %sub3A_495 = arith.subf %add3A_493, %mul3A_494 : vector<16xf32>
      %mul3A_496 = arith.mulf %gather3A_485, %gather3A_487 : vector<16xf32>
      %add3A_497 = arith.addf %gather3A_483, %mul3A_496 : vector<16xf32>
      %mul3A_498 = arith.mulf %gather3A_484, %gather3A_491 : vector<16xf32>
      %add3A_499 = arith.addf %add3A_497, %mul3A_498 : vector<16xf32>
      %select_n3A_500 = arith.select %ge3A_473, %sub3A_495, %broadcast_in_dim3A_43 : vector<16xi1>, vector<16xf32>
      %select_n3A_501 = arith.select %ge3A_473, %sub3A_495, %broadcast_in_dim3A_45 : vector<16xi1>, vector<16xf32>
      %select_n3A_502 = arith.select %ge3A_473, %add3A_499, %broadcast_in_dim3A_43 : vector<16xi1>, vector<16xf32>
      %select_n3A_503 = arith.select %ge3A_473, %add3A_499, %broadcast_in_dim3A_45 : vector<16xi1>, vector<16xf32>
      %mul3A_504 = arith.constant 1.000000e+01 : f32
      %mul3A_505 = vector.broadcast %mul3A_504 : f32 to vector<16xf32>
      %mul3A_506 = arith.mulf %mul3A_505, %select_n3A_500 : vector<16xf32>
      %exp3A_507 = math.exp %mul3A_506 : vector<16xf32>
      %add3A_508 = arith.addf %add3A_447, %exp3A_507 : vector<16xf32>
      %mul3A_509 = arith.constant -1.000000e+01 : f32
      %mul3A_510 = vector.broadcast %mul3A_509 : f32 to vector<16xf32>
      %mul3A_511 = arith.mulf %mul3A_510, %select_n3A_501 : vector<16xf32>
      %exp3A_512 = math.exp %mul3A_511 : vector<16xf32>
      %add3A_513 = arith.addf %add3A_452, %exp3A_512 : vector<16xf32>
      %mul3A_514 = arith.constant 1.000000e+01 : f32
      %mul3A_515 = vector.broadcast %mul3A_514 : f32 to vector<16xf32>
      %mul3A_516 = arith.mulf %mul3A_515, %select_n3A_502 : vector<16xf32>
      %exp3A_517 = math.exp %mul3A_516 : vector<16xf32>
      %add3A_518 = arith.addf %add3A_457, %exp3A_517 : vector<16xf32>
      %mul3A_519 = arith.constant -1.000000e+01 : f32
      %mul3A_520 = vector.broadcast %mul3A_519 : f32 to vector<16xf32>
      %mul3A_521 = arith.mulf %mul3A_520, %select_n3A_503 : vector<16xf32>
      %exp3A_522 = math.exp %mul3A_521 : vector<16xf32>
      %add3A_523 = arith.addf %add3A_462, %exp3A_522 : vector<16xf32>
      %max3A_524 = arith.maximumf %max3A_463, %select_n3A_500 : vector<16xf32>
      %min3A_525 = arith.minimumf %min3A_464, %select_n3A_501 : vector<16xf32>
      %max3A_526 = arith.maximumf %max3A_465, %select_n3A_502 : vector<16xf32>
      %min3A_527 = arith.minimumf %min3A_466, %select_n3A_503 : vector<16xf32>
      %add3A_528 = arith.constant 7 : i32
      %add3A_529 = vector.broadcast %add3A_528 : i32 to vector<16xi32>
      %add3A_530 = arith.addi %add3A_103, %add3A_529 : vector<16xi32>
      %gather3A_531 = tpu.vector_load_idx %arg8[%add3A_530] : memref<4096xi32, #tpu.memory_space<vmem>>[vector<16xi32>], vector<16xi32>,
      %ge3A_532 = arith.constant 0 : i32
      %ge3A_533 = vector.broadcast %ge3A_532 : i32 to vector<16xi32>
      %ge3A_534 = arith.cmpi sge, %gather3A_531, %ge3A_533 : vector<16xi32>
      %max3A_535 = arith.constant 0 : i32
      %max3A_536 = vector.broadcast %max3A_535 : i32 to vector<16xi32>
      %max3A_537 = arith.maxsi %gather3A_531, %max3A_536 : vector<16xi32>
      %gather3A_538 = tpu.vector_load_idx %arg9[%max3A_537] : memref<8192xi32, #tpu.memory_space<vmem>>[vector<16xi32>], vector<16xi32>,
      %add3A_539 = arith.addi %gather3A_538, %gather3A_538 : vector<16xi32>
      %gather3A_540 = tpu.vector_load_idx %arg11[%add3A_539] : memref<1024xf32, #tpu.memory_space<vmem>>[vector<16xi32>], vector<16xf32>,
      %add3A_541 = arith.constant 1 : i32
      %add3A_542 = vector.broadcast %add3A_541 : i32 to vector<16xi32>
      %add3A_543 = arith.addi %add3A_539, %add3A_542 : vector<16xi32>
      %gather3A_544 = tpu.vector_load_idx %arg11[%add3A_543] : memref<1024xf32, #tpu.memory_space<vmem>>[vector<16xi32>], vector<16xf32>,
      %gather3A_545 = tpu.vector_load_idx %arg13[%gather3A_538] : memref<512xf32, #tpu.memory_space<vmem>>[vector<16xi32>], vector<16xf32>,
      %gather3A_546 = tpu.vector_load_idx %arg14[%gather3A_538] : memref<512xf32, #tpu.memory_space<vmem>>[vector<16xi32>], vector<16xf32>,
      %add3A_547 = arith.addi %max3A_537, %max3A_537 : vector<16xi32>
      %gather3A_548 = tpu.vector_load_idx %arg10[%add3A_547] : memref<16384xf32, #tpu.memory_space<vmem>>[vector<16xi32>], vector<16xf32>,
      %add3A_549 = arith.constant 1 : i32
      %add3A_550 = vector.broadcast %add3A_549 : i32 to vector<16xi32>
      %add3A_551 = arith.addi %add3A_547, %add3A_550 : vector<16xi32>
      %gather3A_552 = tpu.vector_load_idx %arg10[%add3A_551] : memref<16384xf32, #tpu.memory_space<vmem>>[vector<16xi32>], vector<16xf32>,
      %mul3A_553 = arith.mulf %gather3A_545, %gather3A_548 : vector<16xf32>
      %add3A_554 = arith.addf %gather3A_540, %mul3A_553 : vector<16xf32>
      %mul3A_555 = arith.mulf %gather3A_546, %gather3A_552 : vector<16xf32>
      %sub3A_556 = arith.subf %add3A_554, %mul3A_555 : vector<16xf32>
      %mul3A_557 = arith.mulf %gather3A_546, %gather3A_548 : vector<16xf32>
      %add3A_558 = arith.addf %gather3A_544, %mul3A_557 : vector<16xf32>
      %mul3A_559 = arith.mulf %gather3A_545, %gather3A_552 : vector<16xf32>
      %add3A_560 = arith.addf %add3A_558, %mul3A_559 : vector<16xf32>
      %select_n3A_561 = arith.select %ge3A_534, %sub3A_556, %broadcast_in_dim3A_43 : vector<16xi1>, vector<16xf32>
      %select_n3A_562 = arith.select %ge3A_534, %sub3A_556, %broadcast_in_dim3A_45 : vector<16xi1>, vector<16xf32>
      %select_n3A_563 = arith.select %ge3A_534, %add3A_560, %broadcast_in_dim3A_43 : vector<16xi1>, vector<16xf32>
      %select_n3A_564 = arith.select %ge3A_534, %add3A_560, %broadcast_in_dim3A_45 : vector<16xi1>, vector<16xf32>
      %mul3A_565 = arith.constant 1.000000e+01 : f32
      %mul3A_566 = vector.broadcast %mul3A_565 : f32 to vector<16xf32>
      %mul3A_567 = arith.mulf %mul3A_566, %select_n3A_561 : vector<16xf32>
      %exp3A_568 = math.exp %mul3A_567 : vector<16xf32>
      %add3A_569 = arith.addf %add3A_508, %exp3A_568 : vector<16xf32>
      %mul3A_570 = arith.constant -1.000000e+01 : f32
      %mul3A_571 = vector.broadcast %mul3A_570 : f32 to vector<16xf32>
      %mul3A_572 = arith.mulf %mul3A_571, %select_n3A_562 : vector<16xf32>
      %exp3A_573 = math.exp %mul3A_572 : vector<16xf32>
      %add3A_574 = arith.addf %add3A_513, %exp3A_573 : vector<16xf32>
      %mul3A_575 = arith.constant 1.000000e+01 : f32
      %mul3A_576 = vector.broadcast %mul3A_575 : f32 to vector<16xf32>
      %mul3A_577 = arith.mulf %mul3A_576, %select_n3A_563 : vector<16xf32>
      %exp3A_578 = math.exp %mul3A_577 : vector<16xf32>
      %add3A_579 = arith.addf %add3A_518, %exp3A_578 : vector<16xf32>
      %mul3A_580 = arith.constant -1.000000e+01 : f32
      %mul3A_581 = vector.broadcast %mul3A_580 : f32 to vector<16xf32>
      %mul3A_582 = arith.mulf %mul3A_581, %select_n3A_564 : vector<16xf32>
      %exp3A_583 = math.exp %mul3A_582 : vector<16xf32>
      %add3A_584 = arith.addf %add3A_523, %exp3A_583 : vector<16xf32>
      %max3A_585 = arith.maximumf %max3A_524, %select_n3A_561 : vector<16xf32>
      %min3A_586 = arith.minimumf %min3A_525, %select_n3A_562 : vector<16xf32>
      %max3A_587 = arith.maximumf %max3A_526, %select_n3A_563 : vector<16xf32>
      %min3A_588 = arith.minimumf %min3A_527, %select_n3A_564 : vector<16xf32>
      %add3A_589 = arith.constant 8 : i32
      %add3A_590 = vector.broadcast %add3A_589 : i32 to vector<16xi32>
      %add3A_591 = arith.addi %add3A_103, %add3A_590 : vector<16xi32>
      %gather3A_592 = tpu.vector_load_idx %arg8[%add3A_591] : memref<4096xi32, #tpu.memory_space<vmem>>[vector<16xi32>], vector<16xi32>,
      %ge3A_593 = arith.constant 0 : i32
      %ge3A_594 = vector.broadcast %ge3A_593 : i32 to vector<16xi32>
      %ge3A_595 = arith.cmpi sge, %gather3A_592, %ge3A_594 : vector<16xi32>
      %max3A_596 = arith.constant 0 : i32
      %max3A_597 = vector.broadcast %max3A_596 : i32 to vector<16xi32>
      %max3A_598 = arith.maxsi %gather3A_592, %max3A_597 : vector<16xi32>
      %gather3A_599 = tpu.vector_load_idx %arg9[%max3A_598] : memref<8192xi32, #tpu.memory_space<vmem>>[vector<16xi32>], vector<16xi32>,
      %add3A_600 = arith.addi %gather3A_599, %gather3A_599 : vector<16xi32>
      %gather3A_601 = tpu.vector_load_idx %arg11[%add3A_600] : memref<1024xf32, #tpu.memory_space<vmem>>[vector<16xi32>], vector<16xf32>,
      %add3A_602 = arith.constant 1 : i32
      %add3A_603 = vector.broadcast %add3A_602 : i32 to vector<16xi32>
      %add3A_604 = arith.addi %add3A_600, %add3A_603 : vector<16xi32>
      %gather3A_605 = tpu.vector_load_idx %arg11[%add3A_604] : memref<1024xf32, #tpu.memory_space<vmem>>[vector<16xi32>], vector<16xf32>,
      %gather3A_606 = tpu.vector_load_idx %arg13[%gather3A_599] : memref<512xf32, #tpu.memory_space<vmem>>[vector<16xi32>], vector<16xf32>,
      %gather3A_607 = tpu.vector_load_idx %arg14[%gather3A_599] : memref<512xf32, #tpu.memory_space<vmem>>[vector<16xi32>], vector<16xf32>,
      %add3A_608 = arith.addi %max3A_598, %max3A_598 : vector<16xi32>
      %gather3A_609 = tpu.vector_load_idx %arg10[%add3A_608] : memref<16384xf32, #tpu.memory_space<vmem>>[vector<16xi32>], vector<16xf32>,
      %add3A_610 = arith.constant 1 : i32
      %add3A_611 = vector.broadcast %add3A_610 : i32 to vector<16xi32>
      %add3A_612 = arith.addi %add3A_608, %add3A_611 : vector<16xi32>
      %gather3A_613 = tpu.vector_load_idx %arg10[%add3A_612] : memref<16384xf32, #tpu.memory_space<vmem>>[vector<16xi32>], vector<16xf32>,
      %mul3A_614 = arith.mulf %gather3A_606, %gather3A_609 : vector<16xf32>
      %add3A_615 = arith.addf %gather3A_601, %mul3A_614 : vector<16xf32>
      %mul3A_616 = arith.mulf %gather3A_607, %gather3A_613 : vector<16xf32>
      %sub3A_617 = arith.subf %add3A_615, %mul3A_616 : vector<16xf32>
      %mul3A_618 = arith.mulf %gather3A_607, %gather3A_609 : vector<16xf32>
      %add3A_619 = arith.addf %gather3A_605, %mul3A_618 : vector<16xf32>
      %mul3A_620 = arith.mulf %gather3A_606, %gather3A_613 : vector<16xf32>
      %add3A_621 = arith.addf %add3A_619, %mul3A_620 : vector<16xf32>
      %select_n3A_622 = arith.select %ge3A_595, %sub3A_617, %broadcast_in_dim3A_43 : vector<16xi1>, vector<16xf32>
      %select_n3A_623 = arith.select %ge3A_595, %sub3A_617, %broadcast_in_dim3A_45 : vector<16xi1>, vector<16xf32>
      %select_n3A_624 = arith.select %ge3A_595, %add3A_621, %broadcast_in_dim3A_43 : vector<16xi1>, vector<16xf32>
      %select_n3A_625 = arith.select %ge3A_595, %add3A_621, %broadcast_in_dim3A_45 : vector<16xi1>, vector<16xf32>
      %mul3A_626 = arith.constant 1.000000e+01 : f32
      %mul3A_627 = vector.broadcast %mul3A_626 : f32 to vector<16xf32>
      %mul3A_628 = arith.mulf %mul3A_627, %select_n3A_622 : vector<16xf32>
      %exp3A_629 = math.exp %mul3A_628 : vector<16xf32>
      %add3A_630 = arith.addf %add3A_569, %exp3A_629 : vector<16xf32>
      %mul3A_631 = arith.constant -1.000000e+01 : f32
      %mul3A_632 = vector.broadcast %mul3A_631 : f32 to vector<16xf32>
      %mul3A_633 = arith.mulf %mul3A_632, %select_n3A_623 : vector<16xf32>
      %exp3A_634 = math.exp %mul3A_633 : vector<16xf32>
      %add3A_635 = arith.addf %add3A_574, %exp3A_634 : vector<16xf32>
      %mul3A_636 = arith.constant 1.000000e+01 : f32
      %mul3A_637 = vector.broadcast %mul3A_636 : f32 to vector<16xf32>
      %mul3A_638 = arith.mulf %mul3A_637, %select_n3A_624 : vector<16xf32>
      %exp3A_639 = math.exp %mul3A_638 : vector<16xf32>
      %add3A_640 = arith.addf %add3A_579, %exp3A_639 : vector<16xf32>
      %mul3A_641 = arith.constant -1.000000e+01 : f32
      %mul3A_642 = vector.broadcast %mul3A_641 : f32 to vector<16xf32>
      %mul3A_643 = arith.mulf %mul3A_642, %select_n3A_625 : vector<16xf32>
      %exp3A_644 = math.exp %mul3A_643 : vector<16xf32>
      %add3A_645 = arith.addf %add3A_584, %exp3A_644 : vector<16xf32>
      %max3A_646 = arith.maximumf %max3A_585, %select_n3A_622 : vector<16xf32>
      %min3A_647 = arith.minimumf %min3A_586, %select_n3A_623 : vector<16xf32>
      %max3A_648 = arith.maximumf %max3A_587, %select_n3A_624 : vector<16xf32>
      %min3A_649 = arith.minimumf %min3A_588, %select_n3A_625 : vector<16xf32>
      %add3A_650 = arith.constant 9 : i32
      %add3A_651 = vector.broadcast %add3A_650 : i32 to vector<16xi32>
      %add3A_652 = arith.addi %add3A_103, %add3A_651 : vector<16xi32>
      %gather3A_653 = tpu.vector_load_idx %arg8[%add3A_652] : memref<4096xi32, #tpu.memory_space<vmem>>[vector<16xi32>], vector<16xi32>,
      %ge3A_654 = arith.constant 0 : i32
      %ge3A_655 = vector.broadcast %ge3A_654 : i32 to vector<16xi32>
      %ge3A_656 = arith.cmpi sge, %gather3A_653, %ge3A_655 : vector<16xi32>
      %max3A_657 = arith.constant 0 : i32
      %max3A_658 = vector.broadcast %max3A_657 : i32 to vector<16xi32>
      %max3A_659 = arith.maxsi %gather3A_653, %max3A_658 : vector<16xi32>
      %gather3A_660 = tpu.vector_load_idx %arg9[%max3A_659] : memref<8192xi32, #tpu.memory_space<vmem>>[vector<16xi32>], vector<16xi32>,
      %add3A_661 = arith.addi %gather3A_660, %gather3A_660 : vector<16xi32>
      %gather3A_662 = tpu.vector_load_idx %arg11[%add3A_661] : memref<1024xf32, #tpu.memory_space<vmem>>[vector<16xi32>], vector<16xf32>,
      %add3A_663 = arith.constant 1 : i32
      %add3A_664 = vector.broadcast %add3A_663 : i32 to vector<16xi32>
      %add3A_665 = arith.addi %add3A_661, %add3A_664 : vector<16xi32>
      %gather3A_666 = tpu.vector_load_idx %arg11[%add3A_665] : memref<1024xf32, #tpu.memory_space<vmem>>[vector<16xi32>], vector<16xf32>,
      %gather3A_667 = tpu.vector_load_idx %arg13[%gather3A_660] : memref<512xf32, #tpu.memory_space<vmem>>[vector<16xi32>], vector<16xf32>,
      %gather3A_668 = tpu.vector_load_idx %arg14[%gather3A_660] : memref<512xf32, #tpu.memory_space<vmem>>[vector<16xi32>], vector<16xf32>,
      %add3A_669 = arith.addi %max3A_659, %max3A_659 : vector<16xi32>
      %gather3A_670 = tpu.vector_load_idx %arg10[%add3A_669] : memref<16384xf32, #tpu.memory_space<vmem>>[vector<16xi32>], vector<16xf32>,
      %add3A_671 = arith.constant 1 : i32
      %add3A_672 = vector.broadcast %add3A_671 : i32 to vector<16xi32>
      %add3A_673 = arith.addi %add3A_669, %add3A_672 : vector<16xi32>
      %gather3A_674 = tpu.vector_load_idx %arg10[%add3A_673] : memref<16384xf32, #tpu.memory_space<vmem>>[vector<16xi32>], vector<16xf32>,
      %mul3A_675 = arith.mulf %gather3A_667, %gather3A_670 : vector<16xf32>
      %add3A_676 = arith.addf %gather3A_662, %mul3A_675 : vector<16xf32>
      %mul3A_677 = arith.mulf %gather3A_668, %gather3A_674 : vector<16xf32>
      %sub3A_678 = arith.subf %add3A_676, %mul3A_677 : vector<16xf32>
      %mul3A_679 = arith.mulf %gather3A_668, %gather3A_670 : vector<16xf32>
      %add3A_680 = arith.addf %gather3A_666, %mul3A_679 : vector<16xf32>
      %mul3A_681 = arith.mulf %gather3A_667, %gather3A_674 : vector<16xf32>
      %add3A_682 = arith.addf %add3A_680, %mul3A_681 : vector<16xf32>
      %select_n3A_683 = arith.select %ge3A_656, %sub3A_678, %broadcast_in_dim3A_43 : vector<16xi1>, vector<16xf32>
      %select_n3A_684 = arith.select %ge3A_656, %sub3A_678, %broadcast_in_dim3A_45 : vector<16xi1>, vector<16xf32>
      %select_n3A_685 = arith.select %ge3A_656, %add3A_682, %broadcast_in_dim3A_43 : vector<16xi1>, vector<16xf32>
      %select_n3A_686 = arith.select %ge3A_656, %add3A_682, %broadcast_in_dim3A_45 : vector<16xi1>, vector<16xf32>
      %mul3A_687 = arith.constant 1.000000e+01 : f32
      %mul3A_688 = vector.broadcast %mul3A_687 : f32 to vector<16xf32>
      %mul3A_689 = arith.mulf %mul3A_688, %select_n3A_683 : vector<16xf32>
      %exp3A_690 = math.exp %mul3A_689 : vector<16xf32>
      %add3A_691 = arith.addf %add3A_630, %exp3A_690 : vector<16xf32>
      %mul3A_692 = arith.constant -1.000000e+01 : f32
      %mul3A_693 = vector.broadcast %mul3A_692 : f32 to vector<16xf32>
      %mul3A_694 = arith.mulf %mul3A_693, %select_n3A_684 : vector<16xf32>
      %exp3A_695 = math.exp %mul3A_694 : vector<16xf32>
      %add3A_696 = arith.addf %add3A_635, %exp3A_695 : vector<16xf32>
      %mul3A_697 = arith.constant 1.000000e+01 : f32
      %mul3A_698 = vector.broadcast %mul3A_697 : f32 to vector<16xf32>
      %mul3A_699 = arith.mulf %mul3A_698, %select_n3A_685 : vector<16xf32>
      %exp3A_700 = math.exp %mul3A_699 : vector<16xf32>
      %add3A_701 = arith.addf %add3A_640, %exp3A_700 : vector<16xf32>
      %mul3A_702 = arith.constant -1.000000e+01 : f32
      %mul3A_703 = vector.broadcast %mul3A_702 : f32 to vector<16xf32>
      %mul3A_704 = arith.mulf %mul3A_703, %select_n3A_686 : vector<16xf32>
      %exp3A_705 = math.exp %mul3A_704 : vector<16xf32>
      %add3A_706 = arith.addf %add3A_645, %exp3A_705 : vector<16xf32>
      %max3A_707 = arith.maximumf %max3A_646, %select_n3A_683 : vector<16xf32>
      %min3A_708 = arith.minimumf %min3A_647, %select_n3A_684 : vector<16xf32>
      %max3A_709 = arith.maximumf %max3A_648, %select_n3A_685 : vector<16xf32>
      %min3A_710 = arith.minimumf %min3A_649, %select_n3A_686 : vector<16xf32>
      %add3A_711 = arith.constant 10 : i32
      %add3A_712 = vector.broadcast %add3A_711 : i32 to vector<16xi32>
      %add3A_713 = arith.addi %add3A_103, %add3A_712 : vector<16xi32>
      %gather3A_714 = tpu.vector_load_idx %arg8[%add3A_713] : memref<4096xi32, #tpu.memory_space<vmem>>[vector<16xi32>], vector<16xi32>,
      %ge3A_715 = arith.constant 0 : i32
      %ge3A_716 = vector.broadcast %ge3A_715 : i32 to vector<16xi32>
      %ge3A_717 = arith.cmpi sge, %gather3A_714, %ge3A_716 : vector<16xi32>
      %max3A_718 = arith.constant 0 : i32
      %max3A_719 = vector.broadcast %max3A_718 : i32 to vector<16xi32>
      %max3A_720 = arith.maxsi %gather3A_714, %max3A_719 : vector<16xi32>
      %gather3A_721 = tpu.vector_load_idx %arg9[%max3A_720] : memref<8192xi32, #tpu.memory_space<vmem>>[vector<16xi32>], vector<16xi32>,
      %add3A_722 = arith.addi %gather3A_721, %gather3A_721 : vector<16xi32>
      %gather3A_723 = tpu.vector_load_idx %arg11[%add3A_722] : memref<1024xf32, #tpu.memory_space<vmem>>[vector<16xi32>], vector<16xf32>,
      %add3A_724 = arith.constant 1 : i32
      %add3A_725 = vector.broadcast %add3A_724 : i32 to vector<16xi32>
      %add3A_726 = arith.addi %add3A_722, %add3A_725 : vector<16xi32>
      %gather3A_727 = tpu.vector_load_idx %arg11[%add3A_726] : memref<1024xf32, #tpu.memory_space<vmem>>[vector<16xi32>], vector<16xf32>,
      %gather3A_728 = tpu.vector_load_idx %arg13[%gather3A_721] : memref<512xf32, #tpu.memory_space<vmem>>[vector<16xi32>], vector<16xf32>,
      %gather3A_729 = tpu.vector_load_idx %arg14[%gather3A_721] : memref<512xf32, #tpu.memory_space<vmem>>[vector<16xi32>], vector<16xf32>,
      %add3A_730 = arith.addi %max3A_720, %max3A_720 : vector<16xi32>
      %gather3A_731 = tpu.vector_load_idx %arg10[%add3A_730] : memref<16384xf32, #tpu.memory_space<vmem>>[vector<16xi32>], vector<16xf32>,
      %add3A_732 = arith.constant 1 : i32
      %add3A_733 = vector.broadcast %add3A_732 : i32 to vector<16xi32>
      %add3A_734 = arith.addi %add3A_730, %add3A_733 : vector<16xi32>
      %gather3A_735 = tpu.vector_load_idx %arg10[%add3A_734] : memref<16384xf32, #tpu.memory_space<vmem>>[vector<16xi32>], vector<16xf32>,
      %mul3A_736 = arith.mulf %gather3A_728, %gather3A_731 : vector<16xf32>
      %add3A_737 = arith.addf %gather3A_723, %mul3A_736 : vector<16xf32>
      %mul3A_738 = arith.mulf %gather3A_729, %gather3A_735 : vector<16xf32>
      %sub3A_739 = arith.subf %add3A_737, %mul3A_738 : vector<16xf32>
      %mul3A_740 = arith.mulf %gather3A_729, %gather3A_731 : vector<16xf32>
      %add3A_741 = arith.addf %gather3A_727, %mul3A_740 : vector<16xf32>
      %mul3A_742 = arith.mulf %gather3A_728, %gather3A_735 : vector<16xf32>
      %add3A_743 = arith.addf %add3A_741, %mul3A_742 : vector<16xf32>
      %select_n3A_744 = arith.select %ge3A_717, %sub3A_739, %broadcast_in_dim3A_43 : vector<16xi1>, vector<16xf32>
      %select_n3A_745 = arith.select %ge3A_717, %sub3A_739, %broadcast_in_dim3A_45 : vector<16xi1>, vector<16xf32>
      %select_n3A_746 = arith.select %ge3A_717, %add3A_743, %broadcast_in_dim3A_43 : vector<16xi1>, vector<16xf32>
      %select_n3A_747 = arith.select %ge3A_717, %add3A_743, %broadcast_in_dim3A_45 : vector<16xi1>, vector<16xf32>
      %mul3A_748 = arith.constant 1.000000e+01 : f32
      %mul3A_749 = vector.broadcast %mul3A_748 : f32 to vector<16xf32>
      %mul3A_750 = arith.mulf %mul3A_749, %select_n3A_744 : vector<16xf32>
      %exp3A_751 = math.exp %mul3A_750 : vector<16xf32>
      %add3A_752 = arith.addf %add3A_691, %exp3A_751 : vector<16xf32>
      %mul3A_753 = arith.constant -1.000000e+01 : f32
      %mul3A_754 = vector.broadcast %mul3A_753 : f32 to vector<16xf32>
      %mul3A_755 = arith.mulf %mul3A_754, %select_n3A_745 : vector<16xf32>
      %exp3A_756 = math.exp %mul3A_755 : vector<16xf32>
      %add3A_757 = arith.addf %add3A_696, %exp3A_756 : vector<16xf32>
      %mul3A_758 = arith.constant 1.000000e+01 : f32
      %mul3A_759 = vector.broadcast %mul3A_758 : f32 to vector<16xf32>
      %mul3A_760 = arith.mulf %mul3A_759, %select_n3A_746 : vector<16xf32>
      %exp3A_761 = math.exp %mul3A_760 : vector<16xf32>
      %add3A_762 = arith.addf %add3A_701, %exp3A_761 : vector<16xf32>
      %mul3A_763 = arith.constant -1.000000e+01 : f32
      %mul3A_764 = vector.broadcast %mul3A_763 : f32 to vector<16xf32>
      %mul3A_765 = arith.mulf %mul3A_764, %select_n3A_747 : vector<16xf32>
      %exp3A_766 = math.exp %mul3A_765 : vector<16xf32>
      %add3A_767 = arith.addf %add3A_706, %exp3A_766 : vector<16xf32>
      %max3A_768 = arith.maximumf %max3A_707, %select_n3A_744 : vector<16xf32>
      %min3A_769 = arith.minimumf %min3A_708, %select_n3A_745 : vector<16xf32>
      %max3A_770 = arith.maximumf %max3A_709, %select_n3A_746 : vector<16xf32>
      %min3A_771 = arith.minimumf %min3A_710, %select_n3A_747 : vector<16xf32>
      %add3A_772 = arith.constant 11 : i32
      %add3A_773 = vector.broadcast %add3A_772 : i32 to vector<16xi32>
      %add3A_774 = arith.addi %add3A_103, %add3A_773 : vector<16xi32>
      %gather3A_775 = tpu.vector_load_idx %arg8[%add3A_774] : memref<4096xi32, #tpu.memory_space<vmem>>[vector<16xi32>], vector<16xi32>,
      %ge3A_776 = arith.constant 0 : i32
      %ge3A_777 = vector.broadcast %ge3A_776 : i32 to vector<16xi32>
      %ge3A_778 = arith.cmpi sge, %gather3A_775, %ge3A_777 : vector<16xi32>
      %max3A_779 = arith.constant 0 : i32
      %max3A_780 = vector.broadcast %max3A_779 : i32 to vector<16xi32>
      %max3A_781 = arith.maxsi %gather3A_775, %max3A_780 : vector<16xi32>
      %gather3A_782 = tpu.vector_load_idx %arg9[%max3A_781] : memref<8192xi32, #tpu.memory_space<vmem>>[vector<16xi32>], vector<16xi32>,
      %add3A_783 = arith.addi %gather3A_782, %gather3A_782 : vector<16xi32>
      %gather3A_784 = tpu.vector_load_idx %arg11[%add3A_783] : memref<1024xf32, #tpu.memory_space<vmem>>[vector<16xi32>], vector<16xf32>,
      %add3A_785 = arith.constant 1 : i32
      %add3A_786 = vector.broadcast %add3A_785 : i32 to vector<16xi32>
      %add3A_787 = arith.addi %add3A_783, %add3A_786 : vector<16xi32>
      %gather3A_788 = tpu.vector_load_idx %arg11[%add3A_787] : memref<1024xf32, #tpu.memory_space<vmem>>[vector<16xi32>], vector<16xf32>,
      %gather3A_789 = tpu.vector_load_idx %arg13[%gather3A_782] : memref<512xf32, #tpu.memory_space<vmem>>[vector<16xi32>], vector<16xf32>,
      %gather3A_790 = tpu.vector_load_idx %arg14[%gather3A_782] : memref<512xf32, #tpu.memory_space<vmem>>[vector<16xi32>], vector<16xf32>,
      %add3A_791 = arith.addi %max3A_781, %max3A_781 : vector<16xi32>
      %gather3A_792 = tpu.vector_load_idx %arg10[%add3A_791] : memref<16384xf32, #tpu.memory_space<vmem>>[vector<16xi32>], vector<16xf32>,
      %add3A_793 = arith.constant 1 : i32
      %add3A_794 = vector.broadcast %add3A_793 : i32 to vector<16xi32>
      %add3A_795 = arith.addi %add3A_791, %add3A_794 : vector<16xi32>
      %gather3A_796 = tpu.vector_load_idx %arg10[%add3A_795] : memref<16384xf32, #tpu.memory_space<vmem>>[vector<16xi32>], vector<16xf32>,
      %mul3A_797 = arith.mulf %gather3A_789, %gather3A_792 : vector<16xf32>
      %add3A_798 = arith.addf %gather3A_784, %mul3A_797 : vector<16xf32>
      %mul3A_799 = arith.mulf %gather3A_790, %gather3A_796 : vector<16xf32>
      %sub3A_800 = arith.subf %add3A_798, %mul3A_799 : vector<16xf32>
      %mul3A_801 = arith.mulf %gather3A_790, %gather3A_792 : vector<16xf32>
      %add3A_802 = arith.addf %gather3A_788, %mul3A_801 : vector<16xf32>
      %mul3A_803 = arith.mulf %gather3A_789, %gather3A_796 : vector<16xf32>
      %add3A_804 = arith.addf %add3A_802, %mul3A_803 : vector<16xf32>
      %select_n3A_805 = arith.select %ge3A_778, %sub3A_800, %broadcast_in_dim3A_43 : vector<16xi1>, vector<16xf32>
      %select_n3A_806 = arith.select %ge3A_778, %sub3A_800, %broadcast_in_dim3A_45 : vector<16xi1>, vector<16xf32>
      %select_n3A_807 = arith.select %ge3A_778, %add3A_804, %broadcast_in_dim3A_43 : vector<16xi1>, vector<16xf32>
      %select_n3A_808 = arith.select %ge3A_778, %add3A_804, %broadcast_in_dim3A_45 : vector<16xi1>, vector<16xf32>
      %mul3A_809 = arith.constant 1.000000e+01 : f32
      %mul3A_810 = vector.broadcast %mul3A_809 : f32 to vector<16xf32>
      %mul3A_811 = arith.mulf %mul3A_810, %select_n3A_805 : vector<16xf32>
      %exp3A_812 = math.exp %mul3A_811 : vector<16xf32>
      %add3A_813 = arith.addf %add3A_752, %exp3A_812 : vector<16xf32>
      %mul3A_814 = arith.constant -1.000000e+01 : f32
      %mul3A_815 = vector.broadcast %mul3A_814 : f32 to vector<16xf32>
      %mul3A_816 = arith.mulf %mul3A_815, %select_n3A_806 : vector<16xf32>
      %exp3A_817 = math.exp %mul3A_816 : vector<16xf32>
      %add3A_818 = arith.addf %add3A_757, %exp3A_817 : vector<16xf32>
      %mul3A_819 = arith.constant 1.000000e+01 : f32
      %mul3A_820 = vector.broadcast %mul3A_819 : f32 to vector<16xf32>
      %mul3A_821 = arith.mulf %mul3A_820, %select_n3A_807 : vector<16xf32>
      %exp3A_822 = math.exp %mul3A_821 : vector<16xf32>
      %add3A_823 = arith.addf %add3A_762, %exp3A_822 : vector<16xf32>
      %mul3A_824 = arith.constant -1.000000e+01 : f32
      %mul3A_825 = vector.broadcast %mul3A_824 : f32 to vector<16xf32>
      %mul3A_826 = arith.mulf %mul3A_825, %select_n3A_808 : vector<16xf32>
      %exp3A_827 = math.exp %mul3A_826 : vector<16xf32>
      %add3A_828 = arith.addf %add3A_767, %exp3A_827 : vector<16xf32>
      %max3A_829 = arith.maximumf %max3A_768, %select_n3A_805 : vector<16xf32>
      %min3A_830 = arith.minimumf %min3A_769, %select_n3A_806 : vector<16xf32>
      %max3A_831 = arith.maximumf %max3A_770, %select_n3A_807 : vector<16xf32>
      %min3A_832 = arith.minimumf %min3A_771, %select_n3A_808 : vector<16xf32>
      %add3A_833 = arith.constant 12 : i32
      %add3A_834 = vector.broadcast %add3A_833 : i32 to vector<16xi32>
      %add3A_835 = arith.addi %add3A_103, %add3A_834 : vector<16xi32>
      %gather3A_836 = tpu.vector_load_idx %arg8[%add3A_835] : memref<4096xi32, #tpu.memory_space<vmem>>[vector<16xi32>], vector<16xi32>,
      %ge3A_837 = arith.constant 0 : i32
      %ge3A_838 = vector.broadcast %ge3A_837 : i32 to vector<16xi32>
      %ge3A_839 = arith.cmpi sge, %gather3A_836, %ge3A_838 : vector<16xi32>
      %max3A_840 = arith.constant 0 : i32
      %max3A_841 = vector.broadcast %max3A_840 : i32 to vector<16xi32>
      %max3A_842 = arith.maxsi %gather3A_836, %max3A_841 : vector<16xi32>
      %gather3A_843 = tpu.vector_load_idx %arg9[%max3A_842] : memref<8192xi32, #tpu.memory_space<vmem>>[vector<16xi32>], vector<16xi32>,
      %add3A_844 = arith.addi %gather3A_843, %gather3A_843 : vector<16xi32>
      %gather3A_845 = tpu.vector_load_idx %arg11[%add3A_844] : memref<1024xf32, #tpu.memory_space<vmem>>[vector<16xi32>], vector<16xf32>,
      %add3A_846 = arith.constant 1 : i32
      %add3A_847 = vector.broadcast %add3A_846 : i32 to vector<16xi32>
      %add3A_848 = arith.addi %add3A_844, %add3A_847 : vector<16xi32>
      %gather3A_849 = tpu.vector_load_idx %arg11[%add3A_848] : memref<1024xf32, #tpu.memory_space<vmem>>[vector<16xi32>], vector<16xf32>,
      %gather3A_850 = tpu.vector_load_idx %arg13[%gather3A_843] : memref<512xf32, #tpu.memory_space<vmem>>[vector<16xi32>], vector<16xf32>,
      %gather3A_851 = tpu.vector_load_idx %arg14[%gather3A_843] : memref<512xf32, #tpu.memory_space<vmem>>[vector<16xi32>], vector<16xf32>,
      %add3A_852 = arith.addi %max3A_842, %max3A_842 : vector<16xi32>
      %gather3A_853 = tpu.vector_load_idx %arg10[%add3A_852] : memref<16384xf32, #tpu.memory_space<vmem>>[vector<16xi32>], vector<16xf32>,
      %add3A_854 = arith.constant 1 : i32
      %add3A_855 = vector.broadcast %add3A_854 : i32 to vector<16xi32>
      %add3A_856 = arith.addi %add3A_852, %add3A_855 : vector<16xi32>
      %gather3A_857 = tpu.vector_load_idx %arg10[%add3A_856] : memref<16384xf32, #tpu.memory_space<vmem>>[vector<16xi32>], vector<16xf32>,
      %mul3A_858 = arith.mulf %gather3A_850, %gather3A_853 : vector<16xf32>
      %add3A_859 = arith.addf %gather3A_845, %mul3A_858 : vector<16xf32>
      %mul3A_860 = arith.mulf %gather3A_851, %gather3A_857 : vector<16xf32>
      %sub3A_861 = arith.subf %add3A_859, %mul3A_860 : vector<16xf32>
      %mul3A_862 = arith.mulf %gather3A_851, %gather3A_853 : vector<16xf32>
      %add3A_863 = arith.addf %gather3A_849, %mul3A_862 : vector<16xf32>
      %mul3A_864 = arith.mulf %gather3A_850, %gather3A_857 : vector<16xf32>
      %add3A_865 = arith.addf %add3A_863, %mul3A_864 : vector<16xf32>
      %select_n3A_866 = arith.select %ge3A_839, %sub3A_861, %broadcast_in_dim3A_43 : vector<16xi1>, vector<16xf32>
      %select_n3A_867 = arith.select %ge3A_839, %sub3A_861, %broadcast_in_dim3A_45 : vector<16xi1>, vector<16xf32>
      %select_n3A_868 = arith.select %ge3A_839, %add3A_865, %broadcast_in_dim3A_43 : vector<16xi1>, vector<16xf32>
      %select_n3A_869 = arith.select %ge3A_839, %add3A_865, %broadcast_in_dim3A_45 : vector<16xi1>, vector<16xf32>
      %mul3A_870 = arith.constant 1.000000e+01 : f32
      %mul3A_871 = vector.broadcast %mul3A_870 : f32 to vector<16xf32>
      %mul3A_872 = arith.mulf %mul3A_871, %select_n3A_866 : vector<16xf32>
      %exp3A_873 = math.exp %mul3A_872 : vector<16xf32>
      %add3A_874 = arith.addf %add3A_813, %exp3A_873 : vector<16xf32>
      %mul3A_875 = arith.constant -1.000000e+01 : f32
      %mul3A_876 = vector.broadcast %mul3A_875 : f32 to vector<16xf32>
      %mul3A_877 = arith.mulf %mul3A_876, %select_n3A_867 : vector<16xf32>
      %exp3A_878 = math.exp %mul3A_877 : vector<16xf32>
      %add3A_879 = arith.addf %add3A_818, %exp3A_878 : vector<16xf32>
      %mul3A_880 = arith.constant 1.000000e+01 : f32
      %mul3A_881 = vector.broadcast %mul3A_880 : f32 to vector<16xf32>
      %mul3A_882 = arith.mulf %mul3A_881, %select_n3A_868 : vector<16xf32>
      %exp3A_883 = math.exp %mul3A_882 : vector<16xf32>
      %add3A_884 = arith.addf %add3A_823, %exp3A_883 : vector<16xf32>
      %mul3A_885 = arith.constant -1.000000e+01 : f32
      %mul3A_886 = vector.broadcast %mul3A_885 : f32 to vector<16xf32>
      %mul3A_887 = arith.mulf %mul3A_886, %select_n3A_869 : vector<16xf32>
      %exp3A_888 = math.exp %mul3A_887 : vector<16xf32>
      %add3A_889 = arith.addf %add3A_828, %exp3A_888 : vector<16xf32>
      %max3A_890 = arith.maximumf %max3A_829, %select_n3A_866 : vector<16xf32>
      %min3A_891 = arith.minimumf %min3A_830, %select_n3A_867 : vector<16xf32>
      %max3A_892 = arith.maximumf %max3A_831, %select_n3A_868 : vector<16xf32>
      %min3A_893 = arith.minimumf %min3A_832, %select_n3A_869 : vector<16xf32>
      %add3A_894 = arith.constant 13 : i32
      %add3A_895 = vector.broadcast %add3A_894 : i32 to vector<16xi32>
      %add3A_896 = arith.addi %add3A_103, %add3A_895 : vector<16xi32>
      %gather3A_897 = tpu.vector_load_idx %arg8[%add3A_896] : memref<4096xi32, #tpu.memory_space<vmem>>[vector<16xi32>], vector<16xi32>,
      %ge3A_898 = arith.constant 0 : i32
      %ge3A_899 = vector.broadcast %ge3A_898 : i32 to vector<16xi32>
      %ge3A_900 = arith.cmpi sge, %gather3A_897, %ge3A_899 : vector<16xi32>
      %max3A_901 = arith.constant 0 : i32
      %max3A_902 = vector.broadcast %max3A_901 : i32 to vector<16xi32>
      %max3A_903 = arith.maxsi %gather3A_897, %max3A_902 : vector<16xi32>
      %gather3A_904 = tpu.vector_load_idx %arg9[%max3A_903] : memref<8192xi32, #tpu.memory_space<vmem>>[vector<16xi32>], vector<16xi32>,
      %add3A_905 = arith.addi %gather3A_904, %gather3A_904 : vector<16xi32>
      %gather3A_906 = tpu.vector_load_idx %arg11[%add3A_905] : memref<1024xf32, #tpu.memory_space<vmem>>[vector<16xi32>], vector<16xf32>,
      %add3A_907 = arith.constant 1 : i32
      %add3A_908 = vector.broadcast %add3A_907 : i32 to vector<16xi32>
      %add3A_909 = arith.addi %add3A_905, %add3A_908 : vector<16xi32>
      %gather3A_910 = tpu.vector_load_idx %arg11[%add3A_909] : memref<1024xf32, #tpu.memory_space<vmem>>[vector<16xi32>], vector<16xf32>,
      %gather3A_911 = tpu.vector_load_idx %arg13[%gather3A_904] : memref<512xf32, #tpu.memory_space<vmem>>[vector<16xi32>], vector<16xf32>,
      %gather3A_912 = tpu.vector_load_idx %arg14[%gather3A_904] : memref<512xf32, #tpu.memory_space<vmem>>[vector<16xi32>], vector<16xf32>,
      %add3A_913 = arith.addi %max3A_903, %max3A_903 : vector<16xi32>
      %gather3A_914 = tpu.vector_load_idx %arg10[%add3A_913] : memref<16384xf32, #tpu.memory_space<vmem>>[vector<16xi32>], vector<16xf32>,
      %add3A_915 = arith.constant 1 : i32
      %add3A_916 = vector.broadcast %add3A_915 : i32 to vector<16xi32>
      %add3A_917 = arith.addi %add3A_913, %add3A_916 : vector<16xi32>
      %gather3A_918 = tpu.vector_load_idx %arg10[%add3A_917] : memref<16384xf32, #tpu.memory_space<vmem>>[vector<16xi32>], vector<16xf32>,
      %mul3A_919 = arith.mulf %gather3A_911, %gather3A_914 : vector<16xf32>
      %add3A_920 = arith.addf %gather3A_906, %mul3A_919 : vector<16xf32>
      %mul3A_921 = arith.mulf %gather3A_912, %gather3A_918 : vector<16xf32>
      %sub3A_922 = arith.subf %add3A_920, %mul3A_921 : vector<16xf32>
      %mul3A_923 = arith.mulf %gather3A_912, %gather3A_914 : vector<16xf32>
      %add3A_924 = arith.addf %gather3A_910, %mul3A_923 : vector<16xf32>
      %mul3A_925 = arith.mulf %gather3A_911, %gather3A_918 : vector<16xf32>
      %add3A_926 = arith.addf %add3A_924, %mul3A_925 : vector<16xf32>
      %select_n3A_927 = arith.select %ge3A_900, %sub3A_922, %broadcast_in_dim3A_43 : vector<16xi1>, vector<16xf32>
      %select_n3A_928 = arith.select %ge3A_900, %sub3A_922, %broadcast_in_dim3A_45 : vector<16xi1>, vector<16xf32>
      %select_n3A_929 = arith.select %ge3A_900, %add3A_926, %broadcast_in_dim3A_43 : vector<16xi1>, vector<16xf32>
      %select_n3A_930 = arith.select %ge3A_900, %add3A_926, %broadcast_in_dim3A_45 : vector<16xi1>, vector<16xf32>
      %mul3A_931 = arith.constant 1.000000e+01 : f32
      %mul3A_932 = vector.broadcast %mul3A_931 : f32 to vector<16xf32>
      %mul3A_933 = arith.mulf %mul3A_932, %select_n3A_927 : vector<16xf32>
      %exp3A_934 = math.exp %mul3A_933 : vector<16xf32>
      %add3A_935 = arith.addf %add3A_874, %exp3A_934 : vector<16xf32>
      %mul3A_936 = arith.constant -1.000000e+01 : f32
      %mul3A_937 = vector.broadcast %mul3A_936 : f32 to vector<16xf32>
      %mul3A_938 = arith.mulf %mul3A_937, %select_n3A_928 : vector<16xf32>
      %exp3A_939 = math.exp %mul3A_938 : vector<16xf32>
      %add3A_940 = arith.addf %add3A_879, %exp3A_939 : vector<16xf32>
      %mul3A_941 = arith.constant 1.000000e+01 : f32
      %mul3A_942 = vector.broadcast %mul3A_941 : f32 to vector<16xf32>
      %mul3A_943 = arith.mulf %mul3A_942, %select_n3A_929 : vector<16xf32>
      %exp3A_944 = math.exp %mul3A_943 : vector<16xf32>
      %add3A_945 = arith.addf %add3A_884, %exp3A_944 : vector<16xf32>
      %mul3A_946 = arith.constant -1.000000e+01 : f32
      %mul3A_947 = vector.broadcast %mul3A_946 : f32 to vector<16xf32>
      %mul3A_948 = arith.mulf %mul3A_947, %select_n3A_930 : vector<16xf32>
      %exp3A_949 = math.exp %mul3A_948 : vector<16xf32>
      %add3A_950 = arith.addf %add3A_889, %exp3A_949 : vector<16xf32>
      %max3A_951 = arith.maximumf %max3A_890, %select_n3A_927 : vector<16xf32>
      %min3A_952 = arith.minimumf %min3A_891, %select_n3A_928 : vector<16xf32>
      %max3A_953 = arith.maximumf %max3A_892, %select_n3A_929 : vector<16xf32>
      %min3A_954 = arith.minimumf %min3A_893, %select_n3A_930 : vector<16xf32>
      %add3A_955 = arith.constant 14 : i32
      %add3A_956 = vector.broadcast %add3A_955 : i32 to vector<16xi32>
      %add3A_957 = arith.addi %add3A_103, %add3A_956 : vector<16xi32>
      %gather3A_958 = tpu.vector_load_idx %arg8[%add3A_957] : memref<4096xi32, #tpu.memory_space<vmem>>[vector<16xi32>], vector<16xi32>,
      %ge3A_959 = arith.constant 0 : i32
      %ge3A_960 = vector.broadcast %ge3A_959 : i32 to vector<16xi32>
      %ge3A_961 = arith.cmpi sge, %gather3A_958, %ge3A_960 : vector<16xi32>
      %max3A_962 = arith.constant 0 : i32
      %max3A_963 = vector.broadcast %max3A_962 : i32 to vector<16xi32>
      %max3A_964 = arith.maxsi %gather3A_958, %max3A_963 : vector<16xi32>
      %gather3A_965 = tpu.vector_load_idx %arg9[%max3A_964] : memref<8192xi32, #tpu.memory_space<vmem>>[vector<16xi32>], vector<16xi32>,
      %add3A_966 = arith.addi %gather3A_965, %gather3A_965 : vector<16xi32>
      %gather3A_967 = tpu.vector_load_idx %arg11[%add3A_966] : memref<1024xf32, #tpu.memory_space<vmem>>[vector<16xi32>], vector<16xf32>,
      %add3A_968 = arith.constant 1 : i32
      %add3A_969 = vector.broadcast %add3A_968 : i32 to vector<16xi32>
      %add3A_970 = arith.addi %add3A_966, %add3A_969 : vector<16xi32>
      %gather3A_971 = tpu.vector_load_idx %arg11[%add3A_970] : memref<1024xf32, #tpu.memory_space<vmem>>[vector<16xi32>], vector<16xf32>,
      %gather3A_972 = tpu.vector_load_idx %arg13[%gather3A_965] : memref<512xf32, #tpu.memory_space<vmem>>[vector<16xi32>], vector<16xf32>,
      %gather3A_973 = tpu.vector_load_idx %arg14[%gather3A_965] : memref<512xf32, #tpu.memory_space<vmem>>[vector<16xi32>], vector<16xf32>,
      %add3A_974 = arith.addi %max3A_964, %max3A_964 : vector<16xi32>
      %gather3A_975 = tpu.vector_load_idx %arg10[%add3A_974] : memref<16384xf32, #tpu.memory_space<vmem>>[vector<16xi32>], vector<16xf32>,
      %add3A_976 = arith.constant 1 : i32
      %add3A_977 = vector.broadcast %add3A_976 : i32 to vector<16xi32>
      %add3A_978 = arith.addi %add3A_974, %add3A_977 : vector<16xi32>
      %gather3A_979 = tpu.vector_load_idx %arg10[%add3A_978] : memref<16384xf32, #tpu.memory_space<vmem>>[vector<16xi32>], vector<16xf32>,
      %mul3A_980 = arith.mulf %gather3A_972, %gather3A_975 : vector<16xf32>
      %add3A_981 = arith.addf %gather3A_967, %mul3A_980 : vector<16xf32>
      %mul3A_982 = arith.mulf %gather3A_973, %gather3A_979 : vector<16xf32>
      %sub3A_983 = arith.subf %add3A_981, %mul3A_982 : vector<16xf32>
      %mul3A_984 = arith.mulf %gather3A_973, %gather3A_975 : vector<16xf32>
      %add3A_985 = arith.addf %gather3A_971, %mul3A_984 : vector<16xf32>
      %mul3A_986 = arith.mulf %gather3A_972, %gather3A_979 : vector<16xf32>
      %add3A_987 = arith.addf %add3A_985, %mul3A_986 : vector<16xf32>
      %select_n3A_988 = arith.select %ge3A_961, %sub3A_983, %broadcast_in_dim3A_43 : vector<16xi1>, vector<16xf32>
      %select_n3A_989 = arith.select %ge3A_961, %sub3A_983, %broadcast_in_dim3A_45 : vector<16xi1>, vector<16xf32>
      %select_n3A_990 = arith.select %ge3A_961, %add3A_987, %broadcast_in_dim3A_43 : vector<16xi1>, vector<16xf32>
      %select_n3A_991 = arith.select %ge3A_961, %add3A_987, %broadcast_in_dim3A_45 : vector<16xi1>, vector<16xf32>
      %mul3A_992 = arith.constant 1.000000e+01 : f32
      %mul3A_993 = vector.broadcast %mul3A_992 : f32 to vector<16xf32>
      %mul3A_994 = arith.mulf %mul3A_993, %select_n3A_988 : vector<16xf32>
      %exp3A_995 = math.exp %mul3A_994 : vector<16xf32>
      %add3A_996 = arith.addf %add3A_935, %exp3A_995 : vector<16xf32>
      %mul3A_997 = arith.constant -1.000000e+01 : f32
      %mul3A_998 = vector.broadcast %mul3A_997 : f32 to vector<16xf32>
      %mul3A_999 = arith.mulf %mul3A_998, %select_n3A_989 : vector<16xf32>
      %exp3A_1000 = math.exp %mul3A_999 : vector<16xf32>
      %add3A_1001 = arith.addf %add3A_940, %exp3A_1000 : vector<16xf32>
      %mul3A_1002 = arith.constant 1.000000e+01 : f32
      %mul3A_1003 = vector.broadcast %mul3A_1002 : f32 to vector<16xf32>
      %mul3A_1004 = arith.mulf %mul3A_1003, %select_n3A_990 : vector<16xf32>
      %exp3A_1005 = math.exp %mul3A_1004 : vector<16xf32>
      %add3A_1006 = arith.addf %add3A_945, %exp3A_1005 : vector<16xf32>
      %mul3A_1007 = arith.constant -1.000000e+01 : f32
      %mul3A_1008 = vector.broadcast %mul3A_1007 : f32 to vector<16xf32>
      %mul3A_1009 = arith.mulf %mul3A_1008, %select_n3A_991 : vector<16xf32>
      %exp3A_1010 = math.exp %mul3A_1009 : vector<16xf32>
      %add3A_1011 = arith.addf %add3A_950, %exp3A_1010 : vector<16xf32>
      %max3A_1012 = arith.maximumf %max3A_951, %select_n3A_988 : vector<16xf32>
      %min3A_1013 = arith.minimumf %min3A_952, %select_n3A_989 : vector<16xf32>
      %max3A_1014 = arith.maximumf %max3A_953, %select_n3A_990 : vector<16xf32>
      %min3A_1015 = arith.minimumf %min3A_954, %select_n3A_991 : vector<16xf32>
      %add3A_1016 = arith.constant 15 : i32
      %add3A_1017 = vector.broadcast %add3A_1016 : i32 to vector<16xi32>
      %add3A_1018 = arith.addi %add3A_103, %add3A_1017 : vector<16xi32>
      %gather3A_1019 = tpu.vector_load_idx %arg8[%add3A_1018] : memref<4096xi32, #tpu.memory_space<vmem>>[vector<16xi32>], vector<16xi32>,
      %ge3A_1020 = arith.constant 0 : i32
      %ge3A_1021 = vector.broadcast %ge3A_1020 : i32 to vector<16xi32>
      %ge3A_1022 = arith.cmpi sge, %gather3A_1019, %ge3A_1021 : vector<16xi32>
      %max3A_1023 = arith.constant 0 : i32
      %max3A_1024 = vector.broadcast %max3A_1023 : i32 to vector<16xi32>
      %max3A_1025 = arith.maxsi %gather3A_1019, %max3A_1024 : vector<16xi32>
      %gather3A_1026 = tpu.vector_load_idx %arg9[%max3A_1025] : memref<8192xi32, #tpu.memory_space<vmem>>[vector<16xi32>], vector<16xi32>,
      %add3A_1027 = arith.addi %gather3A_1026, %gather3A_1026 : vector<16xi32>
      %gather3A_1028 = tpu.vector_load_idx %arg11[%add3A_1027] : memref<1024xf32, #tpu.memory_space<vmem>>[vector<16xi32>], vector<16xf32>,
      %add3A_1029 = arith.constant 1 : i32
      %add3A_1030 = vector.broadcast %add3A_1029 : i32 to vector<16xi32>
      %add3A_1031 = arith.addi %add3A_1027, %add3A_1030 : vector<16xi32>
      %gather3A_1032 = tpu.vector_load_idx %arg11[%add3A_1031] : memref<1024xf32, #tpu.memory_space<vmem>>[vector<16xi32>], vector<16xf32>,
      %gather3A_1033 = tpu.vector_load_idx %arg13[%gather3A_1026] : memref<512xf32, #tpu.memory_space<vmem>>[vector<16xi32>], vector<16xf32>,
      %gather3A_1034 = tpu.vector_load_idx %arg14[%gather3A_1026] : memref<512xf32, #tpu.memory_space<vmem>>[vector<16xi32>], vector<16xf32>,
      %add3A_1035 = arith.addi %max3A_1025, %max3A_1025 : vector<16xi32>
      %gather3A_1036 = tpu.vector_load_idx %arg10[%add3A_1035] : memref<16384xf32, #tpu.memory_space<vmem>>[vector<16xi32>], vector<16xf32>,
      %add3A_1037 = arith.constant 1 : i32
      %add3A_1038 = vector.broadcast %add3A_1037 : i32 to vector<16xi32>
      %add3A_1039 = arith.addi %add3A_1035, %add3A_1038 : vector<16xi32>
      %gather3A_1040 = tpu.vector_load_idx %arg10[%add3A_1039] : memref<16384xf32, #tpu.memory_space<vmem>>[vector<16xi32>], vector<16xf32>,
      %mul3A_1041 = arith.mulf %gather3A_1033, %gather3A_1036 : vector<16xf32>
      %add3A_1042 = arith.addf %gather3A_1028, %mul3A_1041 : vector<16xf32>
      %mul3A_1043 = arith.mulf %gather3A_1034, %gather3A_1040 : vector<16xf32>
      %sub3A_1044 = arith.subf %add3A_1042, %mul3A_1043 : vector<16xf32>
      %mul3A_1045 = arith.mulf %gather3A_1034, %gather3A_1036 : vector<16xf32>
      %add3A_1046 = arith.addf %gather3A_1032, %mul3A_1045 : vector<16xf32>
      %mul3A_1047 = arith.mulf %gather3A_1033, %gather3A_1040 : vector<16xf32>
      %add3A_1048 = arith.addf %add3A_1046, %mul3A_1047 : vector<16xf32>
      %select_n3A_1049 = arith.select %ge3A_1022, %sub3A_1044, %broadcast_in_dim3A_43 : vector<16xi1>, vector<16xf32>
      %select_n3A_1050 = arith.select %ge3A_1022, %sub3A_1044, %broadcast_in_dim3A_45 : vector<16xi1>, vector<16xf32>
      %select_n3A_1051 = arith.select %ge3A_1022, %add3A_1048, %broadcast_in_dim3A_43 : vector<16xi1>, vector<16xf32>
      %select_n3A_1052 = arith.select %ge3A_1022, %add3A_1048, %broadcast_in_dim3A_45 : vector<16xi1>, vector<16xf32>
      %mul3A_1053 = arith.constant 1.000000e+01 : f32
      %mul3A_1054 = vector.broadcast %mul3A_1053 : f32 to vector<16xf32>
      %mul3A_1055 = arith.mulf %mul3A_1054, %select_n3A_1049 : vector<16xf32>
      %exp3A_1056 = math.exp %mul3A_1055 : vector<16xf32>
      %add3A_1057 = arith.addf %add3A_996, %exp3A_1056 : vector<16xf32>
      %mul3A_1058 = arith.constant -1.000000e+01 : f32
      %mul3A_1059 = vector.broadcast %mul3A_1058 : f32 to vector<16xf32>
      %mul3A_1060 = arith.mulf %mul3A_1059, %select_n3A_1050 : vector<16xf32>
      %exp3A_1061 = math.exp %mul3A_1060 : vector<16xf32>
      %add3A_1062 = arith.addf %add3A_1001, %exp3A_1061 : vector<16xf32>
      %mul3A_1063 = arith.constant 1.000000e+01 : f32
      %mul3A_1064 = vector.broadcast %mul3A_1063 : f32 to vector<16xf32>
      %mul3A_1065 = arith.mulf %mul3A_1064, %select_n3A_1051 : vector<16xf32>
      %exp3A_1066 = math.exp %mul3A_1065 : vector<16xf32>
      %add3A_1067 = arith.addf %add3A_1006, %exp3A_1066 : vector<16xf32>
      %mul3A_1068 = arith.constant -1.000000e+01 : f32
      %mul3A_1069 = vector.broadcast %mul3A_1068 : f32 to vector<16xf32>
      %mul3A_1070 = arith.mulf %mul3A_1069, %select_n3A_1052 : vector<16xf32>
      %exp3A_1071 = math.exp %mul3A_1070 : vector<16xf32>
      %add3A_1072 = arith.addf %add3A_1011, %exp3A_1071 : vector<16xf32>
      %max3A_1073 = arith.maximumf %max3A_1012, %select_n3A_1049 : vector<16xf32>
      %min3A_1074 = arith.minimumf %min3A_1013, %select_n3A_1050 : vector<16xf32>
      %max3A_1075 = arith.maximumf %max3A_1014, %select_n3A_1051 : vector<16xf32>
      %min3A_1076 = arith.minimumf %min3A_1015, %select_n3A_1052 : vector<16xf32>
      %mul3A_1077 = arith.constant 16 : i32
      %mul3A_1078 = arith.muli %scan3A_96, %mul3A_1077 : i32
      %swap3A = arith.constant 0 : i32
      %swap3A_1079 = arith.index_cast %swap3A : i32 to index
      %swap3A_1080 = arith.index_cast %mul3A_1078 : i32 to index
      %swap3A_1081 = tpu.vector_load %arg15[%swap3A_1079, %swap3A_1080] {strides = array<i32>} : memref<8x256xf32, #tpu.memory_space<vmem>>, vector<16xf32>,
      tpu.vector_store %arg15[%swap3A_1079, %swap3A_1080], %add3A_1057 {strides = array<i32>} : memref<8x256xf32, #tpu.memory_space<vmem>>, vector<16xf32>,
      %swap3A_1082 = arith.constant 1 : i32
      %swap3A_1083 = arith.index_cast %swap3A_1082 : i32 to index
      %swap3A_1084 = arith.index_cast %mul3A_1078 : i32 to index
      %swap3A_1085 = tpu.vector_load %arg15[%swap3A_1083, %swap3A_1084] {strides = array<i32>} : memref<8x256xf32, #tpu.memory_space<vmem>>, vector<16xf32>,
      tpu.vector_store %arg15[%swap3A_1083, %swap3A_1084], %add3A_1062 {strides = array<i32>} : memref<8x256xf32, #tpu.memory_space<vmem>>, vector<16xf32>,
      %swap3A_1086 = arith.constant 2 : i32
      %swap3A_1087 = arith.index_cast %swap3A_1086 : i32 to index
      %swap3A_1088 = arith.index_cast %mul3A_1078 : i32 to index
      %swap3A_1089 = tpu.vector_load %arg15[%swap3A_1087, %swap3A_1088] {strides = array<i32>} : memref<8x256xf32, #tpu.memory_space<vmem>>, vector<16xf32>,
      tpu.vector_store %arg15[%swap3A_1087, %swap3A_1088], %add3A_1067 {strides = array<i32>} : memref<8x256xf32, #tpu.memory_space<vmem>>, vector<16xf32>,
      %swap3A_1090 = arith.constant 3 : i32
      %swap3A_1091 = arith.index_cast %swap3A_1090 : i32 to index
      %swap3A_1092 = arith.index_cast %mul3A_1078 : i32 to index
      %swap3A_1093 = tpu.vector_load %arg15[%swap3A_1091, %swap3A_1092] {strides = array<i32>} : memref<8x256xf32, #tpu.memory_space<vmem>>, vector<16xf32>,
      tpu.vector_store %arg15[%swap3A_1091, %swap3A_1092], %add3A_1072 {strides = array<i32>} : memref<8x256xf32, #tpu.memory_space<vmem>>, vector<16xf32>,
      %swap3A_1094 = arith.constant 4 : i32
      %swap3A_1095 = arith.index_cast %swap3A_1094 : i32 to index
      %swap3A_1096 = arith.index_cast %mul3A_1078 : i32 to index
      %swap3A_1097 = tpu.vector_load %arg15[%swap3A_1095, %swap3A_1096] {strides = array<i32>} : memref<8x256xf32, #tpu.memory_space<vmem>>, vector<16xf32>,
      tpu.vector_store %arg15[%swap3A_1095, %swap3A_1096], %max3A_1073 {strides = array<i32>} : memref<8x256xf32, #tpu.memory_space<vmem>>, vector<16xf32>,
      %swap3A_1098 = arith.constant 5 : i32
      %swap3A_1099 = arith.index_cast %swap3A_1098 : i32 to index
      %swap3A_1100 = arith.index_cast %mul3A_1078 : i32 to index
      %swap3A_1101 = tpu.vector_load %arg15[%swap3A_1099, %swap3A_1100] {strides = array<i32>} : memref<8x256xf32, #tpu.memory_space<vmem>>, vector<16xf32>,
      tpu.vector_store %arg15[%swap3A_1099, %swap3A_1100], %min3A_1074 {strides = array<i32>} : memref<8x256xf32, #tpu.memory_space<vmem>>, vector<16xf32>,
      %swap3A_1102 = arith.constant 6 : i32
      %swap3A_1103 = arith.index_cast %swap3A_1102 : i32 to index
      %swap3A_1104 = arith.index_cast %mul3A_1078 : i32 to index
      %swap3A_1105 = tpu.vector_load %arg15[%swap3A_1103, %swap3A_1104] {strides = array<i32>} : memref<8x256xf32, #tpu.memory_space<vmem>>, vector<16xf32>,
      tpu.vector_store %arg15[%swap3A_1103, %swap3A_1104], %max3A_1075 {strides = array<i32>} : memref<8x256xf32, #tpu.memory_space<vmem>>, vector<16xf32>,
      %swap3A_1106 = arith.constant 7 : i32
      %swap3A_1107 = arith.index_cast %swap3A_1106 : i32 to index
      %swap3A_1108 = arith.index_cast %mul3A_1078 : i32 to index
      %swap3A_1109 = tpu.vector_load %arg15[%swap3A_1107, %swap3A_1108] {strides = array<i32>} : memref<8x256xf32, #tpu.memory_space<vmem>>, vector<16xf32>,
      tpu.vector_store %arg15[%swap3A_1107, %swap3A_1108], %min3A_1076 {strides = array<i32>} : memref<8x256xf32, #tpu.memory_space<vmem>>, vector<16xf32>,
    }
    %scan3A_56 = arith.constant 16 : i32
    %mul3A_57 = arith.constant 8 : i32
    %mul3A_58 = arith.muli %select_n3A, %mul3A_57 : i32
    %add3A_59 = arith.constant 0 : i32
    %add3A_60 = arith.addi %mul3A_58, %add3A_59 : i32
    %run_scoped3A = arith.constant 0 : i32
    "tpu.region"() ({
      %run_scoped3A_96 = tpu.sem_alloc : memref<!tpu.dma_semaphore, #tpu.memory_space<semaphore_mem>>
      %dma_start3A = arith.constant 0 : i32
      %dma_start3A_97 = tpu.memref_slice %arg15[%run_scoped3A, %dma_start3A] : memref<8x256xf32, #tpu.memory_space<vmem>> -> memref<1x256xf32, #tpu.memory_space<vmem>>
      %dma_start3A_98 = tpu.memref_squeeze %dma_start3A_97 : memref<1x256xf32, #tpu.memory_space<vmem>> -> memref<256xf32, #tpu.memory_space<vmem>>
      %dma_start3A_99 = tpu.memref_slice %arg7[%add3A_60, %mul3A_32] : memref<32x2048xf32, #tpu.memory_space<hbm>> -> memref<1x256xf32, #tpu.memory_space<hbm>>
      %dma_start3A_100 = tpu.memref_squeeze %dma_start3A_99 : memref<1x256xf32, #tpu.memory_space<hbm>> -> memref<256xf32, #tpu.memory_space<hbm>>
      %dma_start3A_101 = tpu.memref_slice %arg7[%add3A_60, %mul3A_32] : memref<32x2048xf32, #tpu.memory_space<hbm>> -> memref<1x256xf32, #tpu.memory_space<hbm>>
      %dma_start3A_102 = tpu.memref_squeeze %dma_start3A_101 : memref<1x256xf32, #tpu.memory_space<hbm>> -> memref<256xf32, #tpu.memory_space<hbm>>
      %dma_start3A_103 = arith.constant 0 : i32
      %dma_start3A_104 = tpu.memref_slice %arg15[%run_scoped3A, %dma_start3A_103] : memref<8x256xf32, #tpu.memory_space<vmem>> -> memref<1x256xf32, #tpu.memory_space<vmem>>
      %dma_start3A_105 = tpu.memref_squeeze %dma_start3A_104 : memref<1x256xf32, #tpu.memory_space<vmem>> -> memref<256xf32, #tpu.memory_space<vmem>>
      tpu.enqueue_dma source(%dma_start3A_105 : memref<256xf32, #tpu.memory_space<vmem>>) target(%dma_start3A_102 : memref<256xf32, #tpu.memory_space<hbm>>) target_semaphore(%run_scoped3A_96 : memref<!tpu.dma_semaphore, #tpu.memory_space<semaphore_mem>>)
      %dma_wait3A = arith.constant 0 : i32
      %dma_wait3A_106 = tpu.memref_slice %arg15[%run_scoped3A, %dma_wait3A] : memref<8x256xf32, #tpu.memory_space<vmem>> -> memref<1x256xf32, #tpu.memory_space<vmem>>
      %dma_wait3A_107 = tpu.memref_squeeze %dma_wait3A_106 : memref<1x256xf32, #tpu.memory_space<vmem>> -> memref<256xf32, #tpu.memory_space<vmem>>
      %dma_wait3A_108 = tpu.memref_slice %arg7[%add3A_60, %mul3A_32] : memref<32x2048xf32, #tpu.memory_space<hbm>> -> memref<1x256xf32, #tpu.memory_space<hbm>>
      %dma_wait3A_109 = tpu.memref_squeeze %dma_wait3A_108 : memref<1x256xf32, #tpu.memory_space<hbm>> -> memref<256xf32, #tpu.memory_space<hbm>>
      %dma_wait3A_110 = tpu.memref_slice %arg7[%add3A_60, %mul3A_32] : memref<32x2048xf32, #tpu.memory_space<hbm>> -> memref<1x256xf32, #tpu.memory_space<hbm>>
      %dma_wait3A_111 = tpu.memref_squeeze %dma_wait3A_110 : memref<1x256xf32, #tpu.memory_space<hbm>> -> memref<256xf32, #tpu.memory_space<hbm>>
      %dma_wait3A_112 = arith.constant 0 : i32
      %dma_wait3A_113 = tpu.memref_slice %arg15[%run_scoped3A, %dma_wait3A_112] : memref<8x256xf32, #tpu.memory_space<vmem>> -> memref<1x256xf32, #tpu.memory_space<vmem>>
      %dma_wait3A_114 = tpu.memref_squeeze %dma_wait3A_113 : memref<1x256xf32, #tpu.memory_space<vmem>> -> memref<256xf32, #tpu.memory_space<vmem>>
      tpu.wait_dma2 semaphore(%run_scoped3A_96 : memref<!tpu.dma_semaphore, #tpu.memory_space<semaphore_mem>>) src(%dma_wait3A_114 : memref<256xf32, #tpu.memory_space<vmem>>) dst(%dma_wait3A_111 : memref<256xf32, #tpu.memory_space<hbm>>)
      tpu.yield
    }) : () -> ()
    %mul3A_61 = arith.constant 8 : i32
    %mul3A_62 = arith.muli %select_n3A, %mul3A_61 : i32
    %add3A_63 = arith.constant 1 : i32
    %add3A_64 = arith.addi %mul3A_62, %add3A_63 : i32
    %run_scoped3A_65 = arith.constant 1 : i32
    "tpu.region"() ({
      %run_scoped3A_96 = tpu.sem_alloc : memref<!tpu.dma_semaphore, #tpu.memory_space<semaphore_mem>>
      %dma_start3A = arith.constant 0 : i32
      %dma_start3A_97 = tpu.memref_slice %arg15[%run_scoped3A_65, %dma_start3A] : memref<8x256xf32, #tpu.memory_space<vmem>> -> memref<1x256xf32, #tpu.memory_space<vmem>>
      %dma_start3A_98 = tpu.memref_squeeze %dma_start3A_97 : memref<1x256xf32, #tpu.memory_space<vmem>> -> memref<256xf32, #tpu.memory_space<vmem>>
      %dma_start3A_99 = tpu.memref_slice %arg7[%add3A_64, %mul3A_32] : memref<32x2048xf32, #tpu.memory_space<hbm>> -> memref<1x256xf32, #tpu.memory_space<hbm>>
      %dma_start3A_100 = tpu.memref_squeeze %dma_start3A_99 : memref<1x256xf32, #tpu.memory_space<hbm>> -> memref<256xf32, #tpu.memory_space<hbm>>
      %dma_start3A_101 = tpu.memref_slice %arg7[%add3A_64, %mul3A_32] : memref<32x2048xf32, #tpu.memory_space<hbm>> -> memref<1x256xf32, #tpu.memory_space<hbm>>
      %dma_start3A_102 = tpu.memref_squeeze %dma_start3A_101 : memref<1x256xf32, #tpu.memory_space<hbm>> -> memref<256xf32, #tpu.memory_space<hbm>>
      %dma_start3A_103 = arith.constant 0 : i32
      %dma_start3A_104 = tpu.memref_slice %arg15[%run_scoped3A_65, %dma_start3A_103] : memref<8x256xf32, #tpu.memory_space<vmem>> -> memref<1x256xf32, #tpu.memory_space<vmem>>
      %dma_start3A_105 = tpu.memref_squeeze %dma_start3A_104 : memref<1x256xf32, #tpu.memory_space<vmem>> -> memref<256xf32, #tpu.memory_space<vmem>>
      tpu.enqueue_dma source(%dma_start3A_105 : memref<256xf32, #tpu.memory_space<vmem>>) target(%dma_start3A_102 : memref<256xf32, #tpu.memory_space<hbm>>) target_semaphore(%run_scoped3A_96 : memref<!tpu.dma_semaphore, #tpu.memory_space<semaphore_mem>>)
      %dma_wait3A = arith.constant 0 : i32
      %dma_wait3A_106 = tpu.memref_slice %arg15[%run_scoped3A_65, %dma_wait3A] : memref<8x256xf32, #tpu.memory_space<vmem>> -> memref<1x256xf32, #tpu.memory_space<vmem>>
      %dma_wait3A_107 = tpu.memref_squeeze %dma_wait3A_106 : memref<1x256xf32, #tpu.memory_space<vmem>> -> memref<256xf32, #tpu.memory_space<vmem>>
      %dma_wait3A_108 = tpu.memref_slice %arg7[%add3A_64, %mul3A_32] : memref<32x2048xf32, #tpu.memory_space<hbm>> -> memref<1x256xf32, #tpu.memory_space<hbm>>
      %dma_wait3A_109 = tpu.memref_squeeze %dma_wait3A_108 : memref<1x256xf32, #tpu.memory_space<hbm>> -> memref<256xf32, #tpu.memory_space<hbm>>
      %dma_wait3A_110 = tpu.memref_slice %arg7[%add3A_64, %mul3A_32] : memref<32x2048xf32, #tpu.memory_space<hbm>> -> memref<1x256xf32, #tpu.memory_space<hbm>>
      %dma_wait3A_111 = tpu.memref_squeeze %dma_wait3A_110 : memref<1x256xf32, #tpu.memory_space<hbm>> -> memref<256xf32, #tpu.memory_space<hbm>>
      %dma_wait3A_112 = arith.constant 0 : i32
      %dma_wait3A_113 = tpu.memref_slice %arg15[%run_scoped3A_65, %dma_wait3A_112] : memref<8x256xf32, #tpu.memory_space<vmem>> -> memref<1x256xf32, #tpu.memory_space<vmem>>
      %dma_wait3A_114 = tpu.memref_squeeze %dma_wait3A_113 : memref<1x256xf32, #tpu.memory_space<vmem>> -> memref<256xf32, #tpu.memory_space<vmem>>
      tpu.wait_dma2 semaphore(%run_scoped3A_96 : memref<!tpu.dma_semaphore, #tpu.memory_space<semaphore_mem>>) src(%dma_wait3A_114 : memref<256xf32, #tpu.memory_space<vmem>>) dst(%dma_wait3A_111 : memref<256xf32, #tpu.memory_space<hbm>>)
      tpu.yield
    }) : () -> ()
    %mul3A_66 = arith.constant 8 : i32
    %mul3A_67 = arith.muli %select_n3A, %mul3A_66 : i32
    %add3A_68 = arith.constant 2 : i32
    %add3A_69 = arith.addi %mul3A_67, %add3A_68 : i32
    %run_scoped3A_70 = arith.constant 2 : i32
    "tpu.region"() ({
      %run_scoped3A_96 = tpu.sem_alloc : memref<!tpu.dma_semaphore, #tpu.memory_space<semaphore_mem>>
      %dma_start3A = arith.constant 0 : i32
      %dma_start3A_97 = tpu.memref_slice %arg15[%run_scoped3A_70, %dma_start3A] : memref<8x256xf32, #tpu.memory_space<vmem>> -> memref<1x256xf32, #tpu.memory_space<vmem>>
      %dma_start3A_98 = tpu.memref_squeeze %dma_start3A_97 : memref<1x256xf32, #tpu.memory_space<vmem>> -> memref<256xf32, #tpu.memory_space<vmem>>
      %dma_start3A_99 = tpu.memref_slice %arg7[%add3A_69, %mul3A_32] : memref<32x2048xf32, #tpu.memory_space<hbm>> -> memref<1x256xf32, #tpu.memory_space<hbm>>
      %dma_start3A_100 = tpu.memref_squeeze %dma_start3A_99 : memref<1x256xf32, #tpu.memory_space<hbm>> -> memref<256xf32, #tpu.memory_space<hbm>>
      %dma_start3A_101 = tpu.memref_slice %arg7[%add3A_69, %mul3A_32] : memref<32x2048xf32, #tpu.memory_space<hbm>> -> memref<1x256xf32, #tpu.memory_space<hbm>>
      %dma_start3A_102 = tpu.memref_squeeze %dma_start3A_101 : memref<1x256xf32, #tpu.memory_space<hbm>> -> memref<256xf32, #tpu.memory_space<hbm>>
      %dma_start3A_103 = arith.constant 0 : i32
      %dma_start3A_104 = tpu.memref_slice %arg15[%run_scoped3A_70, %dma_start3A_103] : memref<8x256xf32, #tpu.memory_space<vmem>> -> memref<1x256xf32, #tpu.memory_space<vmem>>
      %dma_start3A_105 = tpu.memref_squeeze %dma_start3A_104 : memref<1x256xf32, #tpu.memory_space<vmem>> -> memref<256xf32, #tpu.memory_space<vmem>>
      tpu.enqueue_dma source(%dma_start3A_105 : memref<256xf32, #tpu.memory_space<vmem>>) target(%dma_start3A_102 : memref<256xf32, #tpu.memory_space<hbm>>) target_semaphore(%run_scoped3A_96 : memref<!tpu.dma_semaphore, #tpu.memory_space<semaphore_mem>>)
      %dma_wait3A = arith.constant 0 : i32
      %dma_wait3A_106 = tpu.memref_slice %arg15[%run_scoped3A_70, %dma_wait3A] : memref<8x256xf32, #tpu.memory_space<vmem>> -> memref<1x256xf32, #tpu.memory_space<vmem>>
      %dma_wait3A_107 = tpu.memref_squeeze %dma_wait3A_106 : memref<1x256xf32, #tpu.memory_space<vmem>> -> memref<256xf32, #tpu.memory_space<vmem>>
      %dma_wait3A_108 = tpu.memref_slice %arg7[%add3A_69, %mul3A_32] : memref<32x2048xf32, #tpu.memory_space<hbm>> -> memref<1x256xf32, #tpu.memory_space<hbm>>
      %dma_wait3A_109 = tpu.memref_squeeze %dma_wait3A_108 : memref<1x256xf32, #tpu.memory_space<hbm>> -> memref<256xf32, #tpu.memory_space<hbm>>
      %dma_wait3A_110 = tpu.memref_slice %arg7[%add3A_69, %mul3A_32] : memref<32x2048xf32, #tpu.memory_space<hbm>> -> memref<1x256xf32, #tpu.memory_space<hbm>>
      %dma_wait3A_111 = tpu.memref_squeeze %dma_wait3A_110 : memref<1x256xf32, #tpu.memory_space<hbm>> -> memref<256xf32, #tpu.memory_space<hbm>>
      %dma_wait3A_112 = arith.constant 0 : i32
      %dma_wait3A_113 = tpu.memref_slice %arg15[%run_scoped3A_70, %dma_wait3A_112] : memref<8x256xf32, #tpu.memory_space<vmem>> -> memref<1x256xf32, #tpu.memory_space<vmem>>
      %dma_wait3A_114 = tpu.memref_squeeze %dma_wait3A_113 : memref<1x256xf32, #tpu.memory_space<vmem>> -> memref<256xf32, #tpu.memory_space<vmem>>
      tpu.wait_dma2 semaphore(%run_scoped3A_96 : memref<!tpu.dma_semaphore, #tpu.memory_space<semaphore_mem>>) src(%dma_wait3A_114 : memref<256xf32, #tpu.memory_space<vmem>>) dst(%dma_wait3A_111 : memref<256xf32, #tpu.memory_space<hbm>>)
      tpu.yield
    }) : () -> ()
    %mul3A_71 = arith.constant 8 : i32
    %mul3A_72 = arith.muli %select_n3A, %mul3A_71 : i32
    %add3A_73 = arith.constant 3 : i32
    %add3A_74 = arith.addi %mul3A_72, %add3A_73 : i32
    %run_scoped3A_75 = arith.constant 3 : i32
    "tpu.region"() ({
      %run_scoped3A_96 = tpu.sem_alloc : memref<!tpu.dma_semaphore, #tpu.memory_space<semaphore_mem>>
      %dma_start3A = arith.constant 0 : i32
      %dma_start3A_97 = tpu.memref_slice %arg15[%run_scoped3A_75, %dma_start3A] : memref<8x256xf32, #tpu.memory_space<vmem>> -> memref<1x256xf32, #tpu.memory_space<vmem>>
      %dma_start3A_98 = tpu.memref_squeeze %dma_start3A_97 : memref<1x256xf32, #tpu.memory_space<vmem>> -> memref<256xf32, #tpu.memory_space<vmem>>
      %dma_start3A_99 = tpu.memref_slice %arg7[%add3A_74, %mul3A_32] : memref<32x2048xf32, #tpu.memory_space<hbm>> -> memref<1x256xf32, #tpu.memory_space<hbm>>
      %dma_start3A_100 = tpu.memref_squeeze %dma_start3A_99 : memref<1x256xf32, #tpu.memory_space<hbm>> -> memref<256xf32, #tpu.memory_space<hbm>>
      %dma_start3A_101 = tpu.memref_slice %arg7[%add3A_74, %mul3A_32] : memref<32x2048xf32, #tpu.memory_space<hbm>> -> memref<1x256xf32, #tpu.memory_space<hbm>>
      %dma_start3A_102 = tpu.memref_squeeze %dma_start3A_101 : memref<1x256xf32, #tpu.memory_space<hbm>> -> memref<256xf32, #tpu.memory_space<hbm>>
      %dma_start3A_103 = arith.constant 0 : i32
      %dma_start3A_104 = tpu.memref_slice %arg15[%run_scoped3A_75, %dma_start3A_103] : memref<8x256xf32, #tpu.memory_space<vmem>> -> memref<1x256xf32, #tpu.memory_space<vmem>>
      %dma_start3A_105 = tpu.memref_squeeze %dma_start3A_104 : memref<1x256xf32, #tpu.memory_space<vmem>> -> memref<256xf32, #tpu.memory_space<vmem>>
      tpu.enqueue_dma source(%dma_start3A_105 : memref<256xf32, #tpu.memory_space<vmem>>) target(%dma_start3A_102 : memref<256xf32, #tpu.memory_space<hbm>>) target_semaphore(%run_scoped3A_96 : memref<!tpu.dma_semaphore, #tpu.memory_space<semaphore_mem>>)
      %dma_wait3A = arith.constant 0 : i32
      %dma_wait3A_106 = tpu.memref_slice %arg15[%run_scoped3A_75, %dma_wait3A] : memref<8x256xf32, #tpu.memory_space<vmem>> -> memref<1x256xf32, #tpu.memory_space<vmem>>
      %dma_wait3A_107 = tpu.memref_squeeze %dma_wait3A_106 : memref<1x256xf32, #tpu.memory_space<vmem>> -> memref<256xf32, #tpu.memory_space<vmem>>
      %dma_wait3A_108 = tpu.memref_slice %arg7[%add3A_74, %mul3A_32] : memref<32x2048xf32, #tpu.memory_space<hbm>> -> memref<1x256xf32, #tpu.memory_space<hbm>>
      %dma_wait3A_109 = tpu.memref_squeeze %dma_wait3A_108 : memref<1x256xf32, #tpu.memory_space<hbm>> -> memref<256xf32, #tpu.memory_space<hbm>>
      %dma_wait3A_110 = tpu.memref_slice %arg7[%add3A_74, %mul3A_32] : memref<32x2048xf32, #tpu.memory_space<hbm>> -> memref<1x256xf32, #tpu.memory_space<hbm>>
      %dma_wait3A_111 = tpu.memref_squeeze %dma_wait3A_110 : memref<1x256xf32, #tpu.memory_space<hbm>> -> memref<256xf32, #tpu.memory_space<hbm>>
      %dma_wait3A_112 = arith.constant 0 : i32
      %dma_wait3A_113 = tpu.memref_slice %arg15[%run_scoped3A_75, %dma_wait3A_112] : memref<8x256xf32, #tpu.memory_space<vmem>> -> memref<1x256xf32, #tpu.memory_space<vmem>>
      %dma_wait3A_114 = tpu.memref_squeeze %dma_wait3A_113 : memref<1x256xf32, #tpu.memory_space<vmem>> -> memref<256xf32, #tpu.memory_space<vmem>>
      tpu.wait_dma2 semaphore(%run_scoped3A_96 : memref<!tpu.dma_semaphore, #tpu.memory_space<semaphore_mem>>) src(%dma_wait3A_114 : memref<256xf32, #tpu.memory_space<vmem>>) dst(%dma_wait3A_111 : memref<256xf32, #tpu.memory_space<hbm>>)
      tpu.yield
    }) : () -> ()
    %mul3A_76 = arith.constant 8 : i32
    %mul3A_77 = arith.muli %select_n3A, %mul3A_76 : i32
    %add3A_78 = arith.constant 4 : i32
    %add3A_79 = arith.addi %mul3A_77, %add3A_78 : i32
    %run_scoped3A_80 = arith.constant 4 : i32
    "tpu.region"() ({
      %run_scoped3A_96 = tpu.sem_alloc : memref<!tpu.dma_semaphore, #tpu.memory_space<semaphore_mem>>
      %dma_start3A = arith.constant 0 : i32
      %dma_start3A_97 = tpu.memref_slice %arg15[%run_scoped3A_80, %dma_start3A] : memref<8x256xf32, #tpu.memory_space<vmem>> -> memref<1x256xf32, #tpu.memory_space<vmem>>
      %dma_start3A_98 = tpu.memref_squeeze %dma_start3A_97 : memref<1x256xf32, #tpu.memory_space<vmem>> -> memref<256xf32, #tpu.memory_space<vmem>>
      %dma_start3A_99 = tpu.memref_slice %arg7[%add3A_79, %mul3A_32] : memref<32x2048xf32, #tpu.memory_space<hbm>> -> memref<1x256xf32, #tpu.memory_space<hbm>>
      %dma_start3A_100 = tpu.memref_squeeze %dma_start3A_99 : memref<1x256xf32, #tpu.memory_space<hbm>> -> memref<256xf32, #tpu.memory_space<hbm>>
      %dma_start3A_101 = tpu.memref_slice %arg7[%add3A_79, %mul3A_32] : memref<32x2048xf32, #tpu.memory_space<hbm>> -> memref<1x256xf32, #tpu.memory_space<hbm>>
      %dma_start3A_102 = tpu.memref_squeeze %dma_start3A_101 : memref<1x256xf32, #tpu.memory_space<hbm>> -> memref<256xf32, #tpu.memory_space<hbm>>
      %dma_start3A_103 = arith.constant 0 : i32
      %dma_start3A_104 = tpu.memref_slice %arg15[%run_scoped3A_80, %dma_start3A_103] : memref<8x256xf32, #tpu.memory_space<vmem>> -> memref<1x256xf32, #tpu.memory_space<vmem>>
      %dma_start3A_105 = tpu.memref_squeeze %dma_start3A_104 : memref<1x256xf32, #tpu.memory_space<vmem>> -> memref<256xf32, #tpu.memory_space<vmem>>
      tpu.enqueue_dma source(%dma_start3A_105 : memref<256xf32, #tpu.memory_space<vmem>>) target(%dma_start3A_102 : memref<256xf32, #tpu.memory_space<hbm>>) target_semaphore(%run_scoped3A_96 : memref<!tpu.dma_semaphore, #tpu.memory_space<semaphore_mem>>)
      %dma_wait3A = arith.constant 0 : i32
      %dma_wait3A_106 = tpu.memref_slice %arg15[%run_scoped3A_80, %dma_wait3A] : memref<8x256xf32, #tpu.memory_space<vmem>> -> memref<1x256xf32, #tpu.memory_space<vmem>>
      %dma_wait3A_107 = tpu.memref_squeeze %dma_wait3A_106 : memref<1x256xf32, #tpu.memory_space<vmem>> -> memref<256xf32, #tpu.memory_space<vmem>>
      %dma_wait3A_108 = tpu.memref_slice %arg7[%add3A_79, %mul3A_32] : memref<32x2048xf32, #tpu.memory_space<hbm>> -> memref<1x256xf32, #tpu.memory_space<hbm>>
      %dma_wait3A_109 = tpu.memref_squeeze %dma_wait3A_108 : memref<1x256xf32, #tpu.memory_space<hbm>> -> memref<256xf32, #tpu.memory_space<hbm>>
      %dma_wait3A_110 = tpu.memref_slice %arg7[%add3A_79, %mul3A_32] : memref<32x2048xf32, #tpu.memory_space<hbm>> -> memref<1x256xf32, #tpu.memory_space<hbm>>
      %dma_wait3A_111 = tpu.memref_squeeze %dma_wait3A_110 : memref<1x256xf32, #tpu.memory_space<hbm>> -> memref<256xf32, #tpu.memory_space<hbm>>
      %dma_wait3A_112 = arith.constant 0 : i32
      %dma_wait3A_113 = tpu.memref_slice %arg15[%run_scoped3A_80, %dma_wait3A_112] : memref<8x256xf32, #tpu.memory_space<vmem>> -> memref<1x256xf32, #tpu.memory_space<vmem>>
      %dma_wait3A_114 = tpu.memref_squeeze %dma_wait3A_113 : memref<1x256xf32, #tpu.memory_space<vmem>> -> memref<256xf32, #tpu.memory_space<vmem>>
      tpu.wait_dma2 semaphore(%run_scoped3A_96 : memref<!tpu.dma_semaphore, #tpu.memory_space<semaphore_mem>>) src(%dma_wait3A_114 : memref<256xf32, #tpu.memory_space<vmem>>) dst(%dma_wait3A_111 : memref<256xf32, #tpu.memory_space<hbm>>)
      tpu.yield
    }) : () -> ()
    %mul3A_81 = arith.constant 8 : i32
    %mul3A_82 = arith.muli %select_n3A, %mul3A_81 : i32
    %add3A_83 = arith.constant 5 : i32
    %add3A_84 = arith.addi %mul3A_82, %add3A_83 : i32
    %run_scoped3A_85 = arith.constant 5 : i32
    "tpu.region"() ({
      %run_scoped3A_96 = tpu.sem_alloc : memref<!tpu.dma_semaphore, #tpu.memory_space<semaphore_mem>>
      %dma_start3A = arith.constant 0 : i32
      %dma_start3A_97 = tpu.memref_slice %arg15[%run_scoped3A_85, %dma_start3A] : memref<8x256xf32, #tpu.memory_space<vmem>> -> memref<1x256xf32, #tpu.memory_space<vmem>>
      %dma_start3A_98 = tpu.memref_squeeze %dma_start3A_97 : memref<1x256xf32, #tpu.memory_space<vmem>> -> memref<256xf32, #tpu.memory_space<vmem>>
      %dma_start3A_99 = tpu.memref_slice %arg7[%add3A_84, %mul3A_32] : memref<32x2048xf32, #tpu.memory_space<hbm>> -> memref<1x256xf32, #tpu.memory_space<hbm>>
      %dma_start3A_100 = tpu.memref_squeeze %dma_start3A_99 : memref<1x256xf32, #tpu.memory_space<hbm>> -> memref<256xf32, #tpu.memory_space<hbm>>
      %dma_start3A_101 = tpu.memref_slice %arg7[%add3A_84, %mul3A_32] : memref<32x2048xf32, #tpu.memory_space<hbm>> -> memref<1x256xf32, #tpu.memory_space<hbm>>
      %dma_start3A_102 = tpu.memref_squeeze %dma_start3A_101 : memref<1x256xf32, #tpu.memory_space<hbm>> -> memref<256xf32, #tpu.memory_space<hbm>>
      %dma_start3A_103 = arith.constant 0 : i32
      %dma_start3A_104 = tpu.memref_slice %arg15[%run_scoped3A_85, %dma_start3A_103] : memref<8x256xf32, #tpu.memory_space<vmem>> -> memref<1x256xf32, #tpu.memory_space<vmem>>
      %dma_start3A_105 = tpu.memref_squeeze %dma_start3A_104 : memref<1x256xf32, #tpu.memory_space<vmem>> -> memref<256xf32, #tpu.memory_space<vmem>>
      tpu.enqueue_dma source(%dma_start3A_105 : memref<256xf32, #tpu.memory_space<vmem>>) target(%dma_start3A_102 : memref<256xf32, #tpu.memory_space<hbm>>) target_semaphore(%run_scoped3A_96 : memref<!tpu.dma_semaphore, #tpu.memory_space<semaphore_mem>>)
      %dma_wait3A = arith.constant 0 : i32
      %dma_wait3A_106 = tpu.memref_slice %arg15[%run_scoped3A_85, %dma_wait3A] : memref<8x256xf32, #tpu.memory_space<vmem>> -> memref<1x256xf32, #tpu.memory_space<vmem>>
      %dma_wait3A_107 = tpu.memref_squeeze %dma_wait3A_106 : memref<1x256xf32, #tpu.memory_space<vmem>> -> memref<256xf32, #tpu.memory_space<vmem>>
      %dma_wait3A_108 = tpu.memref_slice %arg7[%add3A_84, %mul3A_32] : memref<32x2048xf32, #tpu.memory_space<hbm>> -> memref<1x256xf32, #tpu.memory_space<hbm>>
      %dma_wait3A_109 = tpu.memref_squeeze %dma_wait3A_108 : memref<1x256xf32, #tpu.memory_space<hbm>> -> memref<256xf32, #tpu.memory_space<hbm>>
      %dma_wait3A_110 = tpu.memref_slice %arg7[%add3A_84, %mul3A_32] : memref<32x2048xf32, #tpu.memory_space<hbm>> -> memref<1x256xf32, #tpu.memory_space<hbm>>
      %dma_wait3A_111 = tpu.memref_squeeze %dma_wait3A_110 : memref<1x256xf32, #tpu.memory_space<hbm>> -> memref<256xf32, #tpu.memory_space<hbm>>
      %dma_wait3A_112 = arith.constant 0 : i32
      %dma_wait3A_113 = tpu.memref_slice %arg15[%run_scoped3A_85, %dma_wait3A_112] : memref<8x256xf32, #tpu.memory_space<vmem>> -> memref<1x256xf32, #tpu.memory_space<vmem>>
      %dma_wait3A_114 = tpu.memref_squeeze %dma_wait3A_113 : memref<1x256xf32, #tpu.memory_space<vmem>> -> memref<256xf32, #tpu.memory_space<vmem>>
      tpu.wait_dma2 semaphore(%run_scoped3A_96 : memref<!tpu.dma_semaphore, #tpu.memory_space<semaphore_mem>>) src(%dma_wait3A_114 : memref<256xf32, #tpu.memory_space<vmem>>) dst(%dma_wait3A_111 : memref<256xf32, #tpu.memory_space<hbm>>)
      tpu.yield
    }) : () -> ()
    %mul3A_86 = arith.constant 8 : i32
    %mul3A_87 = arith.muli %select_n3A, %mul3A_86 : i32
    %add3A_88 = arith.constant 6 : i32
    %add3A_89 = arith.addi %mul3A_87, %add3A_88 : i32
    %run_scoped3A_90 = arith.constant 6 : i32
    "tpu.region"() ({
      %run_scoped3A_96 = tpu.sem_alloc : memref<!tpu.dma_semaphore, #tpu.memory_space<semaphore_mem>>
      %dma_start3A = arith.constant 0 : i32
      %dma_start3A_97 = tpu.memref_slice %arg15[%run_scoped3A_90, %dma_start3A] : memref<8x256xf32, #tpu.memory_space<vmem>> -> memref<1x256xf32, #tpu.memory_space<vmem>>
      %dma_start3A_98 = tpu.memref_squeeze %dma_start3A_97 : memref<1x256xf32, #tpu.memory_space<vmem>> -> memref<256xf32, #tpu.memory_space<vmem>>
      %dma_start3A_99 = tpu.memref_slice %arg7[%add3A_89, %mul3A_32] : memref<32x2048xf32, #tpu.memory_space<hbm>> -> memref<1x256xf32, #tpu.memory_space<hbm>>
      %dma_start3A_100 = tpu.memref_squeeze %dma_start3A_99 : memref<1x256xf32, #tpu.memory_space<hbm>> -> memref<256xf32, #tpu.memory_space<hbm>>
      %dma_start3A_101 = tpu.memref_slice %arg7[%add3A_89, %mul3A_32] : memref<32x2048xf32, #tpu.memory_space<hbm>> -> memref<1x256xf32, #tpu.memory_space<hbm>>
      %dma_start3A_102 = tpu.memref_squeeze %dma_start3A_101 : memref<1x256xf32, #tpu.memory_space<hbm>> -> memref<256xf32, #tpu.memory_space<hbm>>
      %dma_start3A_103 = arith.constant 0 : i32
      %dma_start3A_104 = tpu.memref_slice %arg15[%run_scoped3A_90, %dma_start3A_103] : memref<8x256xf32, #tpu.memory_space<vmem>> -> memref<1x256xf32, #tpu.memory_space<vmem>>
      %dma_start3A_105 = tpu.memref_squeeze %dma_start3A_104 : memref<1x256xf32, #tpu.memory_space<vmem>> -> memref<256xf32, #tpu.memory_space<vmem>>
      tpu.enqueue_dma source(%dma_start3A_105 : memref<256xf32, #tpu.memory_space<vmem>>) target(%dma_start3A_102 : memref<256xf32, #tpu.memory_space<hbm>>) target_semaphore(%run_scoped3A_96 : memref<!tpu.dma_semaphore, #tpu.memory_space<semaphore_mem>>)
      %dma_wait3A = arith.constant 0 : i32
      %dma_wait3A_106 = tpu.memref_slice %arg15[%run_scoped3A_90, %dma_wait3A] : memref<8x256xf32, #tpu.memory_space<vmem>> -> memref<1x256xf32, #tpu.memory_space<vmem>>
      %dma_wait3A_107 = tpu.memref_squeeze %dma_wait3A_106 : memref<1x256xf32, #tpu.memory_space<vmem>> -> memref<256xf32, #tpu.memory_space<vmem>>
      %dma_wait3A_108 = tpu.memref_slice %arg7[%add3A_89, %mul3A_32] : memref<32x2048xf32, #tpu.memory_space<hbm>> -> memref<1x256xf32, #tpu.memory_space<hbm>>
      %dma_wait3A_109 = tpu.memref_squeeze %dma_wait3A_108 : memref<1x256xf32, #tpu.memory_space<hbm>> -> memref<256xf32, #tpu.memory_space<hbm>>
      %dma_wait3A_110 = tpu.memref_slice %arg7[%add3A_89, %mul3A_32] : memref<32x2048xf32, #tpu.memory_space<hbm>> -> memref<1x256xf32, #tpu.memory_space<hbm>>
      %dma_wait3A_111 = tpu.memref_squeeze %dma_wait3A_110 : memref<1x256xf32, #tpu.memory_space<hbm>> -> memref<256xf32, #tpu.memory_space<hbm>>
      %dma_wait3A_112 = arith.constant 0 : i32
      %dma_wait3A_113 = tpu.memref_slice %arg15[%run_scoped3A_90, %dma_wait3A_112] : memref<8x256xf32, #tpu.memory_space<vmem>> -> memref<1x256xf32, #tpu.memory_space<vmem>>
      %dma_wait3A_114 = tpu.memref_squeeze %dma_wait3A_113 : memref<1x256xf32, #tpu.memory_space<vmem>> -> memref<256xf32, #tpu.memory_space<vmem>>
      tpu.wait_dma2 semaphore(%run_scoped3A_96 : memref<!tpu.dma_semaphore, #tpu.memory_space<semaphore_mem>>) src(%dma_wait3A_114 : memref<256xf32, #tpu.memory_space<vmem>>) dst(%dma_wait3A_111 : memref<256xf32, #tpu.memory_space<hbm>>)
      tpu.yield
    }) : () -> ()
    %mul3A_91 = arith.constant 8 : i32
    %mul3A_92 = arith.muli %select_n3A, %mul3A_91 : i32
    %add3A_93 = arith.constant 7 : i32
    %add3A_94 = arith.addi %mul3A_92, %add3A_93 : i32
    %run_scoped3A_95 = arith.constant 7 : i32
    "tpu.region"() ({
      %run_scoped3A_96 = tpu.sem_alloc : memref<!tpu.dma_semaphore, #tpu.memory_space<semaphore_mem>>
      %dma_start3A = arith.constant 0 : i32
      %dma_start3A_97 = tpu.memref_slice %arg15[%run_scoped3A_95, %dma_start3A] : memref<8x256xf32, #tpu.memory_space<vmem>> -> memref<1x256xf32, #tpu.memory_space<vmem>>
      %dma_start3A_98 = tpu.memref_squeeze %dma_start3A_97 : memref<1x256xf32, #tpu.memory_space<vmem>> -> memref<256xf32, #tpu.memory_space<vmem>>
      %dma_start3A_99 = tpu.memref_slice %arg7[%add3A_94, %mul3A_32] : memref<32x2048xf32, #tpu.memory_space<hbm>> -> memref<1x256xf32, #tpu.memory_space<hbm>>
      %dma_start3A_100 = tpu.memref_squeeze %dma_start3A_99 : memref<1x256xf32, #tpu.memory_space<hbm>> -> memref<256xf32, #tpu.memory_space<hbm>>
      %dma_start3A_101 = tpu.memref_slice %arg7[%add3A_94, %mul3A_32] : memref<32x2048xf32, #tpu.memory_space<hbm>> -> memref<1x256xf32, #tpu.memory_space<hbm>>
      %dma_start3A_102 = tpu.memref_squeeze %dma_start3A_101 : memref<1x256xf32, #tpu.memory_space<hbm>> -> memref<256xf32, #tpu.memory_space<hbm>>
      %dma_start3A_103 = arith.constant 0 : i32
      %dma_start3A_104 = tpu.memref_slice %arg15[%run_scoped3A_95, %dma_start3A_103] : memref<8x256xf32, #tpu.memory_space<vmem>> -> memref<1x256xf32, #tpu.memory_space<vmem>>
      %dma_start3A_105 = tpu.memref_squeeze %dma_start3A_104 : memref<1x256xf32, #tpu.memory_space<vmem>> -> memref<256xf32, #tpu.memory_space<vmem>>
      tpu.enqueue_dma source(%dma_start3A_105 : memref<256xf32, #tpu.memory_space<vmem>>) target(%dma_start3A_102 : memref<256xf32, #tpu.memory_space<hbm>>) target_semaphore(%run_scoped3A_96 : memref<!tpu.dma_semaphore, #tpu.memory_space<semaphore_mem>>)
      %dma_wait3A = arith.constant 0 : i32
      %dma_wait3A_106 = tpu.memref_slice %arg15[%run_scoped3A_95, %dma_wait3A] : memref<8x256xf32, #tpu.memory_space<vmem>> -> memref<1x256xf32, #tpu.memory_space<vmem>>
      %dma_wait3A_107 = tpu.memref_squeeze %dma_wait3A_106 : memref<1x256xf32, #tpu.memory_space<vmem>> -> memref<256xf32, #tpu.memory_space<vmem>>
      %dma_wait3A_108 = tpu.memref_slice %arg7[%add3A_94, %mul3A_32] : memref<32x2048xf32, #tpu.memory_space<hbm>> -> memref<1x256xf32, #tpu.memory_space<hbm>>
      %dma_wait3A_109 = tpu.memref_squeeze %dma_wait3A_108 : memref<1x256xf32, #tpu.memory_space<hbm>> -> memref<256xf32, #tpu.memory_space<hbm>>
      %dma_wait3A_110 = tpu.memref_slice %arg7[%add3A_94, %mul3A_32] : memref<32x2048xf32, #tpu.memory_space<hbm>> -> memref<1x256xf32, #tpu.memory_space<hbm>>
      %dma_wait3A_111 = tpu.memref_squeeze %dma_wait3A_110 : memref<1x256xf32, #tpu.memory_space<hbm>> -> memref<256xf32, #tpu.memory_space<hbm>>
      %dma_wait3A_112 = arith.constant 0 : i32
      %dma_wait3A_113 = tpu.memref_slice %arg15[%run_scoped3A_95, %dma_wait3A_112] : memref<8x256xf32, #tpu.memory_space<vmem>> -> memref<1x256xf32, #tpu.memory_space<vmem>>
      %dma_wait3A_114 = tpu.memref_squeeze %dma_wait3A_113 : memref<1x256xf32, #tpu.memory_space<vmem>> -> memref<256xf32, #tpu.memory_space<vmem>>
      tpu.wait_dma2 semaphore(%run_scoped3A_96 : memref<!tpu.dma_semaphore, #tpu.memory_space<semaphore_mem>>) src(%dma_wait3A_114 : memref<256xf32, #tpu.memory_space<vmem>>) dst(%dma_wait3A_111 : memref<256xf32, #tpu.memory_space<hbm>>)
      tpu.yield
    }) : () -> ()
    return
  }
}

</mosaic_0001>

<sc_bundles>
// kernel: kernel.3.cloned.1.call-start
scs
__scs_entry_jumppad:
0x0: {  	(pc) =	sbr.rel $0x88, $3  }
0x1: {  	(tag) =	ssettag $0x0;
	lr =	simm.s32 $0x1  }
0x2: {  	[smem:$0x3F9C] =	sst lr;
	_ =	strace $0xD0000000  }
0x3: {  	_ = 	snop  }
0x4: {  	_ = 	snop  }
0x5: {  	_ = 	snop  }
0x6: {  	_ = 	snop  }
0x7: {  	_ = 	snop  }
__scs_overlays_trampoline_lowered:
0x8: {  	[smem:$0x3FAB] =	sst s0  }
0x9: {  	[smem:$0x3FAC] =	sst s1  }
0xa: {  	[smem:$0x3FAD] =	sst s2  }
0xb: {  	[smem:$0x3FAE] =	sst s3  }
0xc: {  	[smem:$0x3FAF] =	sst s4  }
0xd: {  	[smem:$0x3FB0] =	sst s5  }
0xe: {  	[smem:$0x3FB1] =	sst s6  }
0xf: {  	[smem:$0x3FB2] =	sst s7  }
0x10: {  	[smem:$0x3FB3] =	sst s8  }
0x11: {  	[smem:$0x3FB4] =	sst s9;
	s0 =	simm.s32 @!p0 $0x0  }
0x12: {  	s1 =	sld [smem:$0x3F9A];
	s0 =	simm.s32 @p0 $0x1  }
0x13: {  	[smem:$0x3FB5] =	sst s0;
	s0 =	simm.s32 @!p1 $0x0  }
0x14: {  	s2 =	sld [smem:$0x3F99];
	s0 =	simm.s32 @p1 $0x1  }
0x15: {  	[smem:$0x3FB6] =	sst s0;
	s0 =	simm.s32 @!p2 $0x0  }
0x16: {  	s3 =	sld [smem:$0x3FDB];
	s0 =	simm.s32 @p2 $0x1  }
0x17: {  	s4 =	simm.s32 $0x1BF5;
	[smem:$0x3FB8] =	sst s0  }
0x18: {  	s0 =	sld [smem:$0x3F9B];
	_ =	swait.ge [sflag:s4], $0x0  }
0x19: {  	s7 =	sld [smem:$0x3F9C]  }
0x1a: {  	s8 =	sadd.s32 $0xFFFFE003, lr  }
0x1b: {  	s9 =	sadd.s32 $0xFFFFFEF7, lr;
	s5 =	simm.s32 $0xFFFFFFFF;
	p2 =	slt.u32 s8, $0xFFFFF086  }
0x1c: {  	p1 =	slt.u32 s9, $0xF7A;
	s5 =	simm.s32 @!p2 $0x0  }
0x1d: {  	s5 =	simm.s32 @p1 $0x1;
	p0 =	seq.s32 s7, s2  }
0x1e: {  	s7 =	smul.u32 @!p0 $0xF7A, s2;
	p2 =	seq.s32 @!p0 s5, $0x0  }
0x1f: {  	s9 =	smul.u32 $0xF7A, s1;
	s8 =	simm.s32 @!p0 $0x1BF5;
	p2 =	por !p2, p0  }
0x20: {  	[sflag:s8] =	ssyncset.s32 @!p0 $0xFFFFF086;
	s6 =	sadd.s32 @!p0 s3, s7;
	s7 =	simm.s32 @!p0 $0x108  }
0x21: {  	s3 =	sadd.s32 s3, s9;
	s6 =	sadd.s32 @!p0 $0x88, s6;
	s7 =	simm.s32 @p2 $0x1082  }
0x22: {  	[simem:s7], [sflag:s8] =	dma.local @!p0 [hbm:s6], $0xF7A  }
0x23: {  	s9 =	sor.u32 $0xD0000000, s2;
	s6 =	simm.s32 $0x108;
	_ =	swait.ge @!p0 [sflag:s8], $0x0  }
0x24: {  	s3 =	sadd.s32 $0x88, s3;
	s6 =	simm.s32 @!p1 $0x1082;
	[sflag:s4] =	ssyncset.s32 $0xFFFFF086  }
0x25: {  	[simem:s6], [sflag:s4] =	dma.local [hbm:s3], $0xF7A  }
0x26: {  	[smem:$0x3F9C] =	sst s1;
	(tag) =	ssettag s2;
	_ =	strace s9  }
0x27: {  	s1 =	sld [smem:$0x3FAC]  }
0x28: {  	s2 =	sld [smem:$0x3FAD]  }
0x29: {  	s4 =	sld [smem:$0x3FAF]  }
0x2a: {  	p0 =	seq.s32 s5, $0x0;
	s5 =	sld [smem:$0x3FB0]  }
0x2b: {  	s6 =	sld [smem:$0x3FB1]  }
0x2c: {  	s7 =	sld [smem:$0x3FB2]  }
0x2d: {  	s3 =	simm.s32 $0x108;
	s8 =	sld [smem:$0x3FB3]  }
0x2e: {  	s3 =	simm.s32 @!p0 $0x1082;
	s9 =	sld [smem:$0x3FB4]  }
0x2f: {  	lr =	sadd.s32 s0, s3;
	s0 =	sld [smem:$0x3FAB]  }
0x30: {  	s3 =	sld [smem:$0x3FAE]  }
0x31: {  	[smem:$0x3FB7] =	sst s10  }
0x32: {  	s10 =	sld [smem:$0x3FB5];
	_ =	sdelay $0x3  }
0x33: {  	p0 =	seq.s32 s10, $0x1;
	s10 =	sld [smem:$0x3FB7];
	_ =	sdelay $0x3  }
0x34: {  	[smem:$0x3FB7] =	sst s10  }
0x35: {  	s10 =	sld [smem:$0x3FB6];
	_ =	sdelay $0x3  }
0x36: {  	p1 =	seq.s32 s10, $0x1;
	s10 =	sld [smem:$0x3FB7];
	_ =	sdelay $0x3  }
0x37: {  	[smem:$0x3FB7] =	sst s10  }
0x38: {  	s10 =	sld [smem:$0x3FB8]  }
0x39: {  	_ = 	snop;
	(pc) =	sbr.ind lr, $3  }
0x3a: {  	_ = 	snop  }
0x3b: {  	_ = 	snop  }
0x3c: {  	p2 =	seq.s32 s10, $0x1;
	s10 =	sld [smem:$0x3FB7]  }
0x3d: {  	_ =	shalt  }
0x3e: {  	_ =	shalt  }
0x3f: {  	_ =	shalt  }
0x40: {  	_ =	shalt  }
0x41: {  	_ =	shalt  }
0x42: {  	_ =	shalt  }
0x43: {  	_ =	shalt  }
0x44: {  	_ =	shalt  }
0x45: {  	_ =	shalt  }
0x46: {  	_ =	shalt  }
0x47: {  	_ =	shalt  }
0x48: {  	_ =	shalt  }
0x49: {  	_ =	shalt  }
0x4a: {  	_ =	shalt  }
0x4b: {  	_ =	shalt  }
0x4c: {  	_ =	shalt  }
0x4d: {  	_ =	shalt  }
0x4e: {  	_ =	shalt  }
0x4f: {  	_ =	shalt  }
0x50: {  	_ =	shalt  }
0x51: {  	_ =	shalt  }
0x52: {  	_ =	shalt  }
0x53: {  	_ =	shalt  }
0x54: {  	_ =	shalt  }
0x55: {  	_ =	shalt  }
0x56: {  	_ =	shalt  }
0x57: {  	_ =	shalt  }
0x58: {  	_ =	shalt  }
0x59: {  	_ =	shalt  }
0x5a: {  	_ =	shalt  }
0x5b: {  	_ =	shalt  }
0x5c: {  	_ =	shalt  }
0x5d: {  	_ =	shalt  }
0x5e: {  	_ =	shalt  }
0x5f: {  	_ =	shalt  }
0x60: {  	_ =	shalt  }
0x61: {  	_ =	shalt  }
0x62: {  	_ =	shalt  }
0x63: {  	_ =	shalt  }
0x64: {  	_ =	shalt  }
0x65: {  	_ =	shalt  }
0x66: {  	_ =	shalt  }
0x67: {  	_ =	shalt  }
0x68: {  	_ =	shalt  }
0x69: {  	_ =	shalt  }
0x6a: {  	_ =	shalt  }
0x6b: {  	_ =	shalt  }
0x6c: {  	_ =	shalt  }
0x6d: {  	_ =	shalt  }
0x6e: {  	_ =	shalt  }
0x6f: {  	_ =	shalt  }
0x70: {  	_ =	shalt  }
0x71: {  	_ =	shalt  }
0x72: {  	_ =	shalt  }
0x73: {  	_ =	shalt  }
0x74: {  	_ =	shalt  }
0x75: {  	_ =	shalt  }
0x76: {  	_ =	shalt  }
0x77: {  	_ =	shalt  }
0x78: {  	_ =	shalt  }
0x79: {  	_ =	shalt  }
0x7a: {  	_ =	shalt  }
0x7b: {  	_ =	shalt  }
0x7c: {  	_ =	shalt  }
0x7d: {  	_ =	shalt  }
0x7e: {  	_ =	shalt  }
0x7f: {  	_ =	shalt  }
0x80: {  	_ =	shalt  }
0x81: {  	_ =	shalt  }
0x82: {  	_ =	shalt  }
0x83: {  	_ =	shalt  }
0x84: {  	_ =	shalt  }
0x85: {  	_ =	shalt  }
0x86: {  	_ =	shalt  }
0x87: {  	_ =	shalt  }
.Lfunc_end0:
.L_simem_size_0:
called_computation_lowered:
.L_overlay_start_0:
0x88: {  	s2 =	sld [smem:$0x3FD9]  }
0x89: {  	s3 =	sld [smem:$0x3FFE];
	_ =	sdelay $0x1  }
0x8a: {  	s1 =	srdreg.scid  }
0x8b: {  	s0 =	sand.u32 $0x1, s1  }
0x8c: {  	s17 =	sshll.u32 s0, $0xA;
	s2 =	sadd.s32 s3, s2  }
0x8d: {  	s2 =	sadd.s32 s2, s17  }
0x8e: {  	[smem:$0x3FC3] =	sst s2  }
0x8f: {  	_ = 	snop  }
0x90: {  	s2 =	sld [smem:$0x3FC7];
	(tm) =	ssettm $0x1  }
0x91: {  	s18 =	sld [smem:$0x3FFB];
	_ =	sdelay $0x3  }
0x92: {  	_ =	strace s18  }
0x93: {  	s3 =	sld [smem:$0x3FFC];
	_ =	sdelay $0x3  }
0x94: {  	_ =	strace s3  }
0x95: {  	s3 =	sld [smem:$0x3FFD];
	_ =	sdelay $0x3  }
0x96: {  	_ =	strace s3  }
0x97: {  	_ =	strace $0x8FFFFFFF  }
0x98: {  	s19 =	sld [smem:$0x3FDB];
	_ =	sdelay $0x1  }
0x99: {  	s4 =	simm.s32 $_scs_section_size  }
0x9a: {  	s5 =	simm.s32 $_size__tile_overlayer_lowered;
	s6 =	simm.s32 $_tile_overlayer_lowered  }
0x9b: {  	s22 =	simm.s32 $0x1BFF;
	s21 =	sshll.u32 s6, $0x1;
	s3 =	sadd.s32 s4, s19  }
0x9c: {  	s7 =	simm.s32 $0x0;
	s20 =	sshll.u32 s5, $0x1;
	s5 =	sadd.s32 s21, s3  }
0x9d: {  	[timem:s7], [sflag:s22] =	dma.local [hbm:s5], s20  }
0x9e: {  	_ =	swait.ge [sflag:s22], s20  }
0x9f: {  	s4 =	ssub.s32 $0x0, s20;
	[sflag:s22] =	ssyncset.done $0x0  }
0xa0: {  	[sflag:s22] =	ssyncadd.s32 s4;
	_ =	sdelay $0x1  }
0xa1: {  	s23 =	simm.s32 $0x1B8B  }
0xa2: {  	_ =	swait.ge [sflag:s23], $0x1  }
0xa3: {  	[sflag:s23] =	ssyncset.done $0x0  }
0xa4: {  	s25 =	simm.s32 $0x1B8E;
	s24 =	sld [smem:$0x3FFE];
	[sflag:s23] =	ssyncadd.s32 $0xFFFFFFFF  }
0xa5: {  	s26 =	simm.s32 $execute0_lowered;
	[smem:$0x3FD2] =	sst s25  }
0xa6: {  	s5 =	sshll.u32 s26, $0x1;
	_ =	strace $0x80000046;
	[dreg:$0x1] =	wrdreg $0xFFFFFFFF  }
0xa7: {  	s28 =	simm.s32 $_size_execute0_lowered;
	s3 =	sadd.s32 s3, s5;
	[dreg:$0x0] =	wrdreg $0x0  }
0xa8: {  	s5 =	sshll.u32 s28, $0x1;
	[dreg:$0x2] =	wrdreg s3  }
0xa9: {  	[dreg:$0x3] =	wrdreg s5  }
0xaa: {  	[dreg:$0x4] =	wrdreg $0xC0  }
0xab: {  	_ =	task [dreg:s7], $0x5FFFF  }
0xac: {  	[dreg:$0x1] =	wrdreg $0xFFFFFFFF  }
0xad: {  	[dreg:$0x0] =	wrdreg $0x60  }
0xae: {  	[dreg:$0x2] =	wrdreg s24  }
0xaf: {  	[dreg:$0x3] =	wrdreg s2  }
0xb0: {  	[dreg:$0x4] =	wrdreg $0x9  }
0xb1: {  	_ =	task.clear_ibuf [dreg:s7], $0x5FFFF;
	_ =	strace $0x90000046  }
0xb2: {  	s29 =	simm.s32 $0x9;
	_ =	strace $0x80000048  }
0xb3: {  	_ =	swait.ge [sflag:s29], $0x1  }
0xb4: {  	[sflag:s29] =	ssyncadd.s32 $0xFFFFFFFF  }
0xb5: {  	_ =	strace $0x90000048  }
0xb6: {  	_ =	sfence  }
0xb7: {  	s30 =	sld [smem:$0x0];
	_ =	sdelay $0x2  }
0xb8: {  	s31 =	sshll.u32 s1, $0xD;
	s1 =	sshrl.u32 s1, $0x2  }
0xb9: {  	s3 =	sand.u32 $0x4000, s31;
	s1 =	sadd.s32 s1, s30  }
0xba: {  	s0 =	sor.u32 s3, s0;
	s1 =	sshll.u32 s1, $0x11  }
0xbb: {  	s0 =	sor.u32 s1, s0  }
0xbc: {  	s0 =	sadd.s32 $0x8F2B, s0  }
0xbd: {  	[sflag:s0] =	ssyncadd.remote.s32 $0x1  }
0xbe: {  	_ =	sfence.sel $0xFFFF  }
0xbf: {  	[dreg:$0x0] =	wrdreg $0xFFFFFFFF;
	(pc) =	sbr.abs _section_cstart, $3  }
0xc0: {  	[dreg:$0x1] =	wrdreg $0xFFFFFFFF  }
0xc1: {  	_ =	task.clear_ibuf [dreg:s7], $0x2FFFF;
	_ =	strace $0x9FFFFFFF  }
0xc2: {  	(tm) =	ssettm $0x7FFFFFFF  }
0xc3: {  	_ =	shalt  }
tec
execute0_lowered:
.L_overlay_start_1:
0x0: {  	(tag) =	ssettag $0x1  }
0x1: {  	s0 =	rddreg [dreg:$0x0]  }
0x2: {  	s4 =	stileid.u32;
	s1 =	srdreg.scid;
	s3 =	simm.s32 $0x0  }
0x3: {  	s17 =	simm.s32 $0x1;
	s18 =	simm.s32 $0x1000;
	s19 =	simm.s32 $0x3000  }
0x4: {  	s20 =	simm.s32 $0x7000;
	s21 =	simm.s32 $0x7400;
	s22 =	simm.s32 $0x7C00  }
0x5: {  	s23 =	simm.s32 $0x7E00;
	s28 =	simm.s32 $0x8700;
	s29 =	simm.s32 $0x8380  }
0x6: {  	s30 =	simm.s32 $0x8780;
	s31 =	simm.s32 $0x0;
	s2 =	sshll.u32 s4, $0x1  }
0x7: {  	s1 =	sand.u32 $0x1, s1;
	[smem:$0x7FF] =	sst s3;
	s5 =	sshrl.u32 s4, $0x2  }
0x8: {  	v1 =	vlaneseq.u32;
	s4 =	sadd.s32 $0xC00, s0;
	s2 =	sand.u32 $0x6, s2;
	_ =	strace $0x80000047  }
0x9: {  	v0 =	vand.u32 $0x7, v1;
	s6 =	sshll.u32 s5, $0x7;
	s8 =	sshll.u32 s5, $0xB;
	s5 =	sshll.u32 s5, $0x8  }
0xa: {  	v2 =	vmul.u32 $0x10, v0;
	s2 =	sor.u32 s1, s2;
	s6 =	sadd.s32 s6, s0;
	s1 =	ssub.s32 $0x2, s1  }
0xb: {  	v0 =	vmul.u32 $0x10, v1;
	s9 =	sadd.s32 s5, s0;
	s25 =	sshll.u32 s2, $0x9;
	s2 =	sshll.u32 s2, $0x8  }
0xc: {  	v1 =	vmul.u32 $0x4, v1;
	s26 =	sshrl.u32 s1, $0x1;
	s6 =	sadd.s32 $0x2800, s6;
	v2 =	vor.u32 $0xFFFFFF80, v2;
	s7 =	sadd.s32 s25, s0  }
0xd: {  	v3 =	vor.u32 $0x1, v0;
	v4 =	vor.u32 $0x2, v0;
	v5 =	vor.u32 $0x3, v0;
	s2 =	sor.u32 s8, s2;
	s1 =	ssub.s32 s1, s26;
	s26 =	simm.s32 $0x8300  }
0xe: {  	v6 =	vor.u32 $0x4, v0;
	v7 =	vor.u32 $0x5, v0;
	v8 =	vor.u32 $0x6, v0;
	s0 =	sadd.s32 s2, s0;
	s5 =	sadd.s32 $0x1400, s7;
	s7 =	sadd.s32 $0x2400, s9  }
0xf: {  	v9 =	vor.u32 $0x7, v0;
	v10 =	vor.u32 $0x8, v0;
	v11 =	vor.u32 $0x9, v0;
	s16 =	smax.u32 s1, $0x1;
	s8 =	sadd.s32 $0x2A00, s0;
	s9 =	sadd.s32 $0x2A10, s0  }
0x10: {  	v12 =	vor.u32 $0xA, v0;
	v13 =	vor.u32 $0xB, v0;
	v14 =	vor.u32 $0xC, v0;
	s10 =	sadd.s32 $0x2A20, s0;
	s11 =	sadd.s32 $0x2A30, s0;
	s12 =	sadd.s32 $0x2A40, s0  }
0x11: {  	v15 =	vor.u32 $0xD, v0;
	v16 =	vor.u32 $0xE, v0;
	v17 =	vor.u32 $0xF, v0;
	s13 =	sadd.s32 $0x2A50, s0;
	s14 =	sadd.s32 $0x2A60, s0;
	s15 =	sadd.s32 $0x2A70, s0  }
.LBB2_1:
0x12: {  	[tilespmem:s3], [sflag:$0x1] =	stream.linear.gather [hbm4b:s5+s3], $0x1000, $0x38;
	[tilespmem:$0x8800] =	vst v63  }
0x13: {  	_ =	swait.ge [sflag:s17], $0x1000  }
0x14: {  	[sflag:s17] =	ssyncset.done $0x0  }
0x15: {  	[sflag:s17] =	ssyncadd.s32 $0xFFFFF000  }
0x16: {  	s0 =	rddreg [dreg:$0x1]  }
0x17: {  	[tilespmem:s18], [sflag:$0x1] =	stream.linear.gather [hbm4b:s0+s3], $0x2000, $0x38;
	[tilespmem:$0x8800] =	vst v63  }
0x18: {  	_ =	swait.ge [sflag:s17], $0x2000  }
0x19: {  	[sflag:s17] =	ssyncset.done $0x0  }
0x1a: {  	[sflag:s17] =	ssyncadd.s32 $0xFFFFE000  }
0x1b: {  	[tilespmem:s19], [sflag:$0x1] =	stream.linear.gather [hbm4b:s4+s3], $0x4000, $0x38;
	[tilespmem:$0x8800] =	vst v63  }
0x1c: {  	_ =	swait.ge [sflag:s17], $0x4000  }
0x1d: {  	[sflag:s17] =	ssyncset.done $0x0  }
0x1e: {  	[sflag:s17] =	ssyncadd.s32 $0xFFFFC000  }
0x1f: {  	v18 =	vmov s3;
	[tilespmem:s20], [sflag:$0x1] =	stream.linear.gather [hbm4b:s6+s3], $0x400, $0x38;
	[tilespmem:$0x8800] =	vst v63  }
0x20: {  	v18 =	vshll.u32 v18, $0x2;
	_ =	swait.ge [sflag:s17], $0x400  }
0x21: {  	v18 =	vor.u32 v1, v18;
	[sflag:s17] =	ssyncset.done $0x0  }
0x22: {  	v19 =	vor.u32 $0x2, v18;
	[sflag:s17] =	ssyncadd.s32 $0xFFFFFC00  }
0x23: {  	[tilespmem:s21], [sflag:$0x1] =	stream.linear.gather [hbm4b:s7+s3], $0x800, $0x38;
	[tilespmem:$0x8800] =	vst v63  }
0x24: {  	v20 =	vor.u32 $0x3, v18;
	_ =	swait.ge [sflag:s17], $0x800  }
0x25: {  	v21 =	vor.u32 $0x1, v18;
	[sflag:s17] =	ssyncset.done $0x0  }
0x26: {  	[sflag:s17] =	ssyncadd.s32 $0xFFFFF800  }
0x27: {  	v19 =	vld.idx.msk [tilespmem:v19+s21+$0x0], $0xffff  }
0x28: {  	v18 =	vld.idx.msk [tilespmem:v18+s21+$0x0], $0xffff  }
0x29: {  	s24 =	simm.s32 $0x10;
	v20 =	vld.idx.msk [tilespmem:v20+s21+$0x0], $0xffff  }
0x2a: {  	v22 =	vmov s24;
	v21 =	vld.idx.msk [tilespmem:v21+s21+$0x0], $0xffff  }
0x2b: {  	v22 =	vshll.u32 v22, $0x2  }
0x2c: {  	v22 =	vor.u32 v1, v22  }
0x2d: {  	v23 =	vor.u32 $0x2, v22  }
0x2e: {  	v18 =	vsub.f32 v18, v19  }
0x2f: {  	v24 =	vor.u32 $0x3, v22;
	v19 =	vsub.f32 v21, v20  }
0x30: {  	v20 =	vor.u32 $0x1, v22;
	[tilespmem:s22+$0x0] =	vst v18  }
0x31: {  	[tilespmem:s23+$0x0] =	vst v19  }
0x32: {  	v19 =	vld.idx.msk [tilespmem:v23+s21+$0x0], $0xffff  }
0x33: {  	v22 =	vld.idx.msk [tilespmem:v22+s21+$0x0], $0xffff  }
0x34: {  	s25 =	simm.s32 $0x20;
	v21 =	vld.idx.msk [tilespmem:v24+s21+$0x0], $0xffff  }
0x35: {  	v18 =	vmov s25;
	v23 =	vld.idx.msk [tilespmem:v20+s21+$0x0], $0xffff  }
0x36: {  	v18 =	vshll.u32 v18, $0x2  }
0x37: {  	v18 =	vor.u32 v1, v18  }
0x38: {  	s2 =	simm.s32 $0x30;
	s1 =	simm.s32 $0x7C00;
	s0 =	simm.s32 $0x7E00;
	v20 =	vor.u32 $0x2, v18  }
.LBB2_2:
0x39: {  	p0 =	sne.s32 s2, $0x1F0;
	v19 =	vsub.f32 v22, v19  }
0x3a: {  	v24 =	vor.u32 $0x3, v18;
	v21 =	vsub.f32 v23, v21;
	s1 =	sadd.s32 $0x10, s1  }
0x3b: {  	v23 =	vor.u32 $0x1, v18;
	s0 =	sadd.s32 $0x10, s0;
	[tilespmem:s1+$0x0] =	vst v19  }
0x3c: {  	[tilespmem:s0+$0x0] =	vst v21  }
0x3d: {  	v19 =	vld.idx.msk [tilespmem:v20+s21+$0x0], $0xffff  }
0x3e: {  	v22 =	vld.idx.msk [tilespmem:v18+s21+$0x0], $0xffff  }
0x3f: {  	v21 =	vld.idx.msk [tilespmem:v24+s21+$0x0], $0xffff  }
.Ltmp0:
0x40: {  	v23 =	vld.idx.msk [tilespmem:v23+s21+$0x0], $0xffff;
	(pc) =	sbr.rel @p0 .LBB2_2-.Ltmp0, $4  }
0x41: {  	v18 =	vmov s2  }
0x42: {  	v18 =	vshll.u32 v18, $0x2  }
0x43: {  	v18 =	vor.u32 v1, v18  }
0x44: {  	s2 =	sadd.s32 $0x10, s2;
	v20 =	vor.u32 $0x2, v18  }
0x45: {  	v19 =	vsub.f32 v22, v19  }
0x46: {  	v61 =	vor.u32 $0x3, v18;
	v21 =	vsub.f32 v23, v21;
	s1 =	sadd.s32 $0x10, s1  }
0x47: {  	v62 =	vor.u32 $0x1, v18;
	s0 =	sadd.s32 $0x10, s0;
	[tilespmem:s1+$0x0] =	vst v19  }
0x48: {  	[tilespmem:s0+$0x0] =	vst v21  }
0x49: {  	v19 =	vld.idx.msk [tilespmem:v20+s21+$0x0], $0xffff  }
0x4a: {  	v18 =	vld.idx.msk [tilespmem:v18+s21+$0x0], $0xffff  }
0x4b: {  	v63 =	vld.idx.msk [tilespmem:v61+s21+$0x0], $0xffff  }
0x4c: {  	v21 =	vld.idx.msk [tilespmem:v62+s21+$0x0], $0xffff;
	_ =	sdelay $0x3  }
0x4d: {  	v18 =	vsub.f32 v18, v19  }
0x4e: {  	s1 =	sadd.s32 $0x10, s1;
	v19 =	vsub.f32 v21, v63  }
0x4f: {  	s0 =	sadd.s32 $0x10, s0;
	[tilespmem:s1+$0x0] =	vst v18  }
0x50: {  	s2 =	simm.s32 $0x0;
	s1 =	simm.s32 $0x0;
	[tilespmem:s0+$0x0] =	vst v19;
	s0 =	simm.s32 $0x0  }
.LBB2_4:
0x51: {  	v18 =	vor.u32 s2, v0  }
0x52: {  	v18 =	vand.u32 v2, v18;
	_ =	sdelay $0x3  }
0x53: {  	v20 =	vor.u32 s2, v3  }
0x54: {  	v25 =	vor.u32 s2, v4;
	v18 =	vld.idx.msk [tilespmem:v18+s3+$0x0], $0xffff;
	_ =	sdelay $0x3  }
0x55: {  	v20 =	vld.idx.msk [tilespmem:v20+s3+$0x0], $0xffff  }
0x56: {  	v25 =	vld.idx.msk [tilespmem:v25+s3+$0x0], $0xffff;
	vm0 =	vgt.s32 v18, $0x0  }
0x57: {  	v19 =	vnsel vm0, $0x0, v18;
	_ =	sdelay $0x2  }
0x58: {  	vm10 =	vgt.s32 v20, $0x0  }
0x59: {  	vm11 =	vgt.s32 v25, $0x0;
	v23 =	vnsel vm10, $0x0, v20  }
0x5a: {  	v33 =	vnsel vm11, $0x0, v25;
	v21 =	vld.idx.msk [tilespmem:v19+s18+$0x0], $0xffff  }
0x5b: {  	v19 =	vshll.u32 v19, $0x1  }
0x5c: {  	v26 =	vor.u32 $0x1, v19;
	_ =	sdelay $0x1  }
0x5d: {  	v27 =	vld.idx.msk [tilespmem:v23+s18+$0x0], $0xffff  }
0x5e: {  	v57 =	vld.idx.msk [tilespmem:v33+s18+$0x0], $0xffff;
	v22 =	vshll.u32 v21, $0x1  }
0x5f: {  	v23 =	vshll.u32 v23, $0x1;
	v19 =	vld.idx.msk [tilespmem:v19+s19+$0x0], $0xffff  }
0x60: {  	v31 =	vor.u32 $0x1, v23;
	v26 =	vld.idx.msk [tilespmem:v26+s19+$0x0], $0xffff  }
0x61: {  	v28 =	vld.idx.msk [tilespmem:v21+s22+$0x0], $0xffff  }
0x62: {  	v21 =	vld.idx.msk [tilespmem:v21+s23+$0x0], $0xffff  }
0x63: {  	v24 =	vld.idx.msk [tilespmem:v22+s20+$0x0], $0xffff;
	v22 =	vor.u32 $0x1, v22  }
0x64: {  	v53 =	vld.idx.msk [tilespmem:v23+s19+$0x0], $0xffff  }
0x65: {  	v29 =	vshll.u32 v27, $0x1;
	v55 =	vld.idx.msk [tilespmem:v31+s19+$0x0], $0xffff  }
0x66: {  	v59 =	vshll.u32 v33, $0x1;
	v52 =	vld.idx.msk [tilespmem:v27+s22+$0x0], $0xffff;
	v30 =	vmul.f32 v19, v28  }
0x67: {  	v33 =	vor.u32 $0x1, v59;
	v27 =	vld.idx.msk [tilespmem:v27+s23+$0x0], $0xffff  }
0x68: {  	v51 =	vmul.f32 v26, v21;
	v22 =	vld.idx.msk [tilespmem:v22+s20+$0x0], $0xffff;
	v24 =	vadd.f32 v30, v24  }
0x69: {  	v34 =	vor.u32 s2, v5;
	v62 =	vor.u32 s2, v6;
	vm14 =	vgt.s32 v20, $0xFFFFFFFF  }
0x6a: {  	vm4 =	vgt.s32 v25, $0xFFFFFFFF;
	vm12 =	vgt.s32 v18, $0xFFFFFFFF;
	v32 =	vld.idx.msk [tilespmem:v29+s20+$0x0], $0xffff;
	v24 =	vsub.f32 v24, v51  }
0x6b: {  	v54 =	vor.u32 $0x1, v29;
	v41 =	vmul.f32 v53, v52;
	v19 =	vmul.f32 v19, v21  }
0x6c: {  	v50 =	vld.idx.msk [tilespmem:v33+s19+$0x0], $0xffff;
	v45 =	vmul.f32 v55, v27;
	v23 =	vnsel vm12, $0xCE6E6B28, v24;
	v24 =	vnsel vm12, $0x4E6E6B28, v24  }
0x6d: {  	v63 =	vld.idx.msk [tilespmem:v57+s22+$0x0], $0xffff;
	v18 =	vadd.f32 v19, v22;
	v19 =	vmul.f32 v26, v28;
	v56 =	vmul.f32 $1.000000000e+01, v23  }
0x6e: {  	v44 =	vshll.u32 v57, $0x1;
	v21 =	vmul.f32 v55, v52;
	v40 =	vmul.f32 $-1.000000000e+01, v24  }
0x6f: {  	v30 =	vld.idx.msk [tilespmem:v57+s23+$0x0], $0xffff;
	v26 =	vadd.f32 v41, v32;
	v18 =	vadd.f32 v19, v18;
	v29 =	vmul.f32 $1.442695020e+00, v56  }
0x70: {  	v22 =	vmul.f32 v53, v27;
	v23 =	vmax.f32 v23, $-1.000000000e+09;
	v19 =	vld.idx.msk [tilespmem:v34+s3+$0x0], $0xffff;
	v42 =	vmul.f32 $1.442695020e+00, v40  }
0x71: {  	v31 =	vnsel vm12, $0xCE6E6B28, v18;
	v36 =	vnsel vm12, $0x4E6E6B28, v18;
	(erf) = vpow2.f32 v29;
	v18 =	vld.idx.msk [tilespmem:v54+s20+$0x0], $0xffff  }
0x72: {  	v24 =	vmin.f32 v24, $1.000000000e+09;
	v29 =	vmul.f32 v50, v63;
	v35 =	vmul.f32 $1.000000000e+01, v31  }
0x73: {  	v26 =	vsub.f32 v26, v45;
	(erf) = vpow2.f32 v42;
	v58 =	vmul.f32 $-1.000000000e+01, v36  }
0x74: {  	v31 =	vmax.f32 v31, $-1.000000000e+09;
	v36 =	vmin.f32 v36, $1.000000000e+09;
	v43 =	vmul.f32 $1.442695020e+00, v35  }
0x75: {  	vm13 =	vgt.s32 v19, $0x0;
	v60 =	vmul.f32 $1.442695020e+00, v58;
	v35 =	vor.u32 $0x1, v44  }
0x76: {  	v58 =	vmul.f32 v50, v30;
	v46 =	vnsel vm13, $0x0, v19;
	v18 =	vadd.f32 v22, v18  }
0x77: {  	vm6 =	vgt.s32 v19, $0xFFFFFFFF;
	(erf) = vpow2.f32 v43;
	v27 =	vshll.u32 v46, $0x1  }
0x78: {  	v22 =	vld.idx.msk [tilespmem:v59+s19+$0x0], $0xffff;
	v59 =	vor.u32 s2, v7;
	v18 =	vadd.f32 v21, v18;
	v21 =	vnsel vm14, $0xCE6E6B28, v26  }
0x79: {  	(erf) = vpow2.f32 v60;
	v26 =	vnsel vm14, $0x4E6E6B28, v26;
	v47 =	vmul.f32 $1.000000000e+01, v21  }
0x7a: {  	v61 =	vld.idx.msk [tilespmem:v44+s20+$0x0], $0xffff;
	v45 =	vor.u32 $0x1, v27;
	v38 =	vmul.f32 $-1.000000000e+01, v26;
	v21 =	vmax.f32 v23, v21  }
0x7b: {  	v35 =	vld.idx.msk [tilespmem:v35+s20+$0x0], $0xffff;
	v24 =	vmin.f32 v24, v26;
	v37 =	vnsel vm14, $0xCE6E6B28, v18;
	v28 =	vmul.f32 $1.442695020e+00, v47  }
0x7c: {  	v48 =	vld.idx.msk [tilespmem:v46+s18+$0x0], $0xffff;
	v39 =	vnsel vm14, $0x4E6E6B28, v18;
	v51 =	vpop (erf);
	v40 =	vmul.f32 $1.000000000e+01, v37;
	v38 =	vmul.f32 $1.442695020e+00, v38  }
0x7d: {  	v18 =	vld.idx.msk [tilespmem:v62+s3+$0x0], $0xffff;
	v41 =	vmul.f32 $-1.000000000e+01, v39;
	v33 =	vadd.f32 $0.0e+00, v51;
	v57 =	vmul.f32 v22, v63  }
0x7e: {  	v22 =	vmul.f32 v22, v30;
	v31 =	vmax.f32 v31, v37;
	v36 =	vmin.f32 v36, v39  }
0x7f: {  	v54 =	vpop (erf);
	(erf) = vpow2.f32 v28;
	v49 =	vmul.f32 $1.442695020e+00, v40;
	v20 =	vadd.f32 v57, v61  }
0x80: {  	v55 =	vadd.f32 $0.0e+00, v54;
	v52 =	vmul.f32 $1.442695020e+00, v41;
	(erf) = vpow2.f32 v38  }
0x81: {  	v27 =	vld.idx.msk [tilespmem:v27+s19+$0x0], $0xffff;
	v22 =	vadd.f32 v22, v35;
	v53 =	vshll.u32 v48, $0x1;
	v20 =	vsub.f32 v20, v58  }
0x82: {  	v45 =	vld.idx.msk [tilespmem:v45+s19+$0x0], $0xffff;
	(erf) = vpow2.f32 v49;
	vm15 =	vgt.s32 v18, $0x0;
	vm8 =	vgt.s32 v18, $0xFFFFFFFF  }
0x83: {  	v56 =	vpop (erf);
	v43 =	vnsel vm15, $0x0, v18;
	v32 =	vnsel vm4, $0xCE6E6B28, v20;
	v46 =	vnsel vm4, $0x4E6E6B28, v20;
	v20 =	vld.idx.msk [tilespmem:v59+s3+$0x0], $0xffff  }
0x84: {  	(erf) = vpow2.f32 v52;
	v41 =	vadd.f32 $0.0e+00, v56;
	v30 =	vld.idx.msk [tilespmem:v48+s22+$0x0], $0xffff;
	v62 =	vmul.f32 $1.000000000e+01, v32  }
0x85: {  	v42 =	vpop (erf);
	v40 =	vor.u32 $0x1, v53;
	v22 =	vadd.f32 v29, v22;
	v25 =	vld.idx.msk [tilespmem:v48+s23+$0x0], $0xffff;
	v48 =	vmul.f32 $-1.000000000e+01, v46  }
0x86: {  	v18 =	vor.u32 s2, v9;
	v42 =	vadd.f32 $0.0e+00, v42;
	v44 =	vld.idx.msk [tilespmem:v53+s20+$0x0], $0xffff;
	v53 =	vmul.f32 $1.442695020e+00, v62  }
0x87: {  	v21 =	vmax.f32 v21, v32;
	v24 =	vmin.f32 v24, v46;
	v54 =	vmul.f32 $1.442695020e+00, v48  }
0x88: {  	v62 =	vor.u32 s2, v8;
	v47 =	vld.idx.msk [tilespmem:v43+s18+$0x0], $0xffff;
	v43 =	vshll.u32 v43, $0x1;
	v60 =	vpop (erf);
	(erf) = vpow2.f32 v53  }
0x89: {  	vm5 =	vgt.s32 v20, $0x0;
	vm10 =	vgt.s32 v20, $0xFFFFFFFF;
	(erf) = vpow2.f32 v54  }
0x8a: {  	v61 =	vpop (erf);
	v33 =	vadd.f32 v60, v33;
	v56 =	vmul.f32 v27, v30;
	v60 =	vmul.f32 v45, v25  }
0x8b: {  	v18 =	vld.idx.msk [tilespmem:v18+s3+$0x0], $0xffff;
	v25 =	vmul.f32 v27, v25;
	v27 =	vnsel vm5, $0x0, v20;
	v63 =	vpop (erf);
	v28 =	vadd.f32 v61, v55  }
0x8c: {  	v61 =	vmul.f32 v45, v30;
	v34 =	vadd.f32 v63, v41;
	v41 =	vnsel vm4, $0xCE6E6B28, v22  }
0x8d: {  	v55 =	vld.idx.msk [tilespmem:v40+s20+$0x0], $0xffff;
	v52 =	vpop (erf);
	v22 =	vnsel vm4, $0x4E6E6B28, v22;
	v38 =	vadd.f32 v56, v44;
	v63 =	vor.u32 $0x1, v43  }
0x8e: {  	v35 =	vadd.f32 v52, v42;
	v57 =	vshll.u32 v47, $0x1;
	v58 =	vmul.f32 $1.000000000e+01, v41  }
0x8f: {  	v59 =	vmul.f32 $-1.000000000e+01, v22;
	v31 =	vmax.f32 v31, v41;
	v22 =	vmin.f32 v36, v22  }
0x90: {  	vm9 =	vgt.s32 v18, $0x0;
	vm13 =	vgt.s32 v18, $0xFFFFFFFF;
	v38 =	vsub.f32 v38, v60  }
0x91: {  	v43 =	vld.idx.msk [tilespmem:v43+s19+$0x0], $0xffff;
	v40 =	vor.u32 $0x1, v57;
	v23 =	vmul.f32 $1.442695020e+00, v58;
	v42 =	vmul.f32 $1.442695020e+00, v59  }
0x92: {  	v25 =	vadd.f32 v25, v55;
	v29 =	vnsel vm6, $0xCE6E6B28, v38;
	v26 =	vnsel vm6, $0x4E6E6B28, v38;
	v38 =	vld.idx.msk [tilespmem:v27+s18+$0x0], $0xffff  }
0x93: {  	v27 =	vshll.u32 v27, $0x1;
	(erf) = vpow2.f32 v23;
	v23 =	vld.idx.msk [tilespmem:v47+s22+$0x0], $0xffff;
	v19 =	vmul.f32 $1.000000000e+01, v29  }
0x94: {  	v52 =	vmul.f32 $-1.000000000e+01, v26;
	v55 =	vld.idx.msk [tilespmem:v63+s19+$0x0], $0xffff;
	v21 =	vmax.f32 v21, v29;
	v25 =	vadd.f32 v61, v25  }
0x95: {  	v24 =	vmin.f32 v24, v26;
	v30 =	vld.idx.msk [tilespmem:v57+s20+$0x0], $0xffff;
	(erf) = vpow2.f32 v42;
	v53 =	vpop (erf);
	v49 =	vmul.f32 $1.442695020e+00, v19  }
0x96: {  	v42 =	vld.idx.msk [tilespmem:v47+s23+$0x0], $0xffff;
	v33 =	vadd.f32 v53, v33;
	v54 =	vmul.f32 $1.442695020e+00, v52;
	v37 =	vnsel vm6, $0xCE6E6B28, v25  }
0x97: {  	v19 =	vld.idx.msk [tilespmem:v62+s3+$0x0], $0xffff;
	v57 =	vpop (erf);
	v53 =	vor.u32 $0x1, v27;
	v25 =	vnsel vm6, $0x4E6E6B28, v25;
	v50 =	vmul.f32 $1.000000000e+01, v37  }
0x98: {  	v28 =	vadd.f32 v57, v28;
	(erf) = vpow2.f32 v49;
	v58 =	vmul.f32 $-1.000000000e+01, v25  }
0x99: {  	v40 =	vld.idx.msk [tilespmem:v40+s20+$0x0], $0xffff;
	v59 =	vshll.u32 v38, $0x1;
	v31 =	vmax.f32 v31, v37;
	v60 =	vmul.f32 v43, v23  }
0x9a: {  	v27 =	vld.idx.msk [tilespmem:v27+s19+$0x0], $0xffff;
	v22 =	vmin.f32 v22, v25;
	(erf) = vpow2.f32 v54;
	v23 =	vmul.f32 v55, v23  }
0x9b: {  	v56 =	vmul.f32 $1.442695020e+00, v50;
	v63 =	vmul.f32 v55, v42;
	v30 =	vadd.f32 v60, v30;
	v32 =	vld.idx.msk [tilespmem:v38+s22+$0x0], $0xffff  }
0x9c: {  	v39 =	vmul.f32 $1.442695020e+00, v58;
	v52 =	vmul.f32 v43, v42;
	vm7 =	vgt.s32 v19, $0x0;
	v38 =	vld.idx.msk [tilespmem:v38+s23+$0x0], $0xffff  }
0x9d: {  	v43 =	vld.idx.msk [tilespmem:v53+s19+$0x0], $0xffff;
	vm12 =	vgt.s32 v19, $0xFFFFFFFF;
	(erf) = vpow2.f32 v56;
	v30 =	vsub.f32 v30, v63  }
0x9e: {  	v50 =	vnsel vm7, $0x0, v19;
	v56 =	vor.u32 $0x1, v59;
	v61 =	vpop (erf);
	(erf) = vpow2.f32 v39  }
0x9f: {  	v39 =	vadd.f32 v52, v40;
	v62 =	vpop (erf);
	v34 =	vadd.f32 v61, v34;
	v40 =	vnsel vm8, $0xCE6E6B28, v30  }
0xa0: {  	v42 =	vld.idx.msk [tilespmem:v59+s20+$0x0], $0xffff;
	v35 =	vadd.f32 v62, v35;
	v30 =	vnsel vm8, $0x4E6E6B28, v30;
	v55 =	vmul.f32 $1.000000000e+01, v40  }
0xa1: {  	v23 =	vadd.f32 v23, v39;
	v60 =	vmul.f32 $-1.000000000e+01, v30;
	v53 =	vmul.f32 v27, v32  }
0xa2: {  	v27 =	vmul.f32 v27, v38;
	v32 =	vmul.f32 v43, v32;
	v21 =	vmax.f32 v21, v40  }
0xa3: {  	v24 =	vmin.f32 v24, v30;
	v54 =	vpop (erf);
	v47 =	vld.idx.msk [tilespmem:v50+s18+$0x0], $0xffff;
	v36 =	vnsel vm8, $0xCE6E6B28, v23;
	v23 =	vnsel vm8, $0x4E6E6B28, v23  }
0xa4: {  	v52 =	vld.idx.msk [tilespmem:v56+s20+$0x0], $0xffff;
	v56 =	vmul.f32 v43, v38;
	v33 =	vadd.f32 v54, v33;
	v59 =	vmul.f32 $1.442695020e+00, v55  }
0xa5: {  	v57 =	vpop (erf);
	v63 =	vmul.f32 $1.000000000e+01, v36;
	v55 =	vadd.f32 v53, v42;
	v42 =	vnsel vm9, $0x0, v18  }
0xa6: {  	v61 =	vmul.f32 $1.442695020e+00, v60;
	v28 =	vadd.f32 v57, v28;
	v57 =	vshll.u32 v50, $0x1  }
0xa7: {  	v22 =	vmin.f32 v22, v23;
	(erf) = vpow2.f32 v59;
	v54 =	vmul.f32 $1.442695020e+00, v63  }
0xa8: {  	v41 =	vsub.f32 v55, v56;
	v59 =	vor.u32 s2, v10;
	v60 =	vor.u32 $0x1, v57;
	v58 =	vpop (erf)  }
0xa9: {  	(erf) = vpow2.f32 v61;
	v34 =	vadd.f32 v58, v34;
	v58 =	vmul.f32 $-1.000000000e+01, v23  }
0xaa: {  	v62 =	vpop (erf);
	v48 =	vshll.u32 v47, $0x1;
	v27 =	vadd.f32 v27, v52;
	(erf) = vpow2.f32 v54;
	v49 =	vld.idx.msk [tilespmem:v42+s18+$0x0], $0xffff  }
0xab: {  	v35 =	vadd.f32 v62, v35;
	v56 =	vor.u32 $0x1, v48;
	v44 =	vmul.f32 $1.442695020e+00, v58;
	v38 =	vld.idx.msk [tilespmem:v57+s19+$0x0], $0xffff  }
0xac: {  	v27 =	vadd.f32 v32, v27;
	v32 =	vnsel vm10, $0xCE6E6B28, v41;
	v41 =	vnsel vm10, $0x4E6E6B28, v41;
	v20 =	vld.idx.msk [tilespmem:v47+s22+$0x0], $0xffff  }
0xad: {  	v39 =	vld.idx.msk [tilespmem:v47+s23+$0x0], $0xffff;
	v61 =	vmul.f32 $1.000000000e+01, v32;
	v62 =	vmul.f32 $-1.000000000e+01, v41;
	v32 =	vmax.f32 v21, v32  }
0xae: {  	v45 =	vld.idx.msk [tilespmem:v59+s3+$0x0], $0xffff;
	v24 =	vmin.f32 v24, v41;
	(erf) = vpow2.f32 v44;
	v29 =	vnsel vm10, $0xCE6E6B28, v27  }
0xaf: {  	v46 =	vld.idx.msk [tilespmem:v60+s19+$0x0], $0xffff;
	v27 =	vnsel vm10, $0x4E6E6B28, v27;
	v44 =	vmul.f32 $1.442695020e+00, v61;
	v63 =	vmul.f32 $1.000000000e+01, v29  }
0xb0: {  	v43 =	vld.idx.msk [tilespmem:v48+s20+$0x0], $0xffff;
	v51 =	vmul.f32 $1.442695020e+00, v62;
	v52 =	vmul.f32 $-1.000000000e+01, v27;
	v48 =	vor.u32 s2, v11  }
0xb1: {  	v22 =	vmin.f32 v22, v27;
	v26 =	vshll.u32 v49, $0x1;
	(erf) = vpow2.f32 v44  }
0xb2: {  	v53 =	vmul.f32 $1.442695020e+00, v63;
	v54 =	vpop (erf);
	v55 =	vmul.f32 $1.442695020e+00, v52;
	v52 =	vmax.f32 v31, v36  }
0xb3: {  	(erf) = vpow2.f32 v51;
	v33 =	vadd.f32 v54, v33;
	v57 =	vmul.f32 v38, v20  }
0xb4: {  	vm11 =	vgt.s32 v45, $0x0;
	v60 =	vmul.f32 v46, v39;
	v51 =	vshll.u32 v42, $0x1  }
0xb5: {  	v63 =	vld.idx.msk [tilespmem:v56+s20+$0x0], $0xffff;
	v19 =	vmul.f32 v38, v39;
	v50 =	vnsel vm11, $0x0, v45;
	v37 =	vadd.f32 v57, v43  }
0xb6: {  	v58 =	vpop (erf);
	v20 =	vmul.f32 v46, v20;
	v30 =	vmax.f32 v52, v29;
	(erf) = vpow2.f32 v53  }
0xb7: {  	vm14 =	vgt.s32 v45, $0xFFFFFFFF;
	v59 =	vpop (erf);
	v44 =	vld.idx.msk [tilespmem:v49+s22+$0x0], $0xffff;
	(erf) = vpow2.f32 v55;
	v37 =	vsub.f32 v37, v60  }
0xb8: {  	v61 =	vadd.f32 v58, v28;
	v28 =	vadd.f32 v59, v34;
	v55 =	vor.u32 $0x1, v51;
	v53 =	vld.idx.msk [tilespmem:v26+s20+$0x0], $0xffff;
	v62 =	vpop (erf)  }
0xb9: {  	v26 =	vor.u32 $0x1, v26;
	v40 =	vld.idx.msk [tilespmem:v51+s19+$0x0], $0xffff;
	v34 =	vadd.f32 v62, v35;
	v31 =	vnsel vm12, $0xCE6E6B28, v37  }
0xba: {  	v42 =	vld.idx.msk [tilespmem:v50+s18+$0x0], $0xffff;
	v37 =	vnsel vm12, $0x4E6E6B28, v37;
	v35 =	vadd.f32 v19, v63;
	v54 =	vmul.f32 $1.000000000e+01, v31  }
0xbb: {  	v19 =	vld.idx.msk [tilespmem:v48+s3+$0x0], $0xffff;
	v50 =	vshll.u32 v50, $0x1;
	v58 =	vmul.f32 $-1.000000000e+01, v37;
	v31 =	vmax.f32 v32, v31;
	v56 =	vpop (erf)  }
0xbc: {  	v62 =	vld.idx.msk [tilespmem:v49+s23+$0x0], $0xffff;
	v20 =	vadd.f32 v20, v35;
	v57 =	vpop (erf);
	v38 =	vmul.f32 $1.442695020e+00, v54;
	v23 =	vadd.f32 v56, v33  }
0xbd: {  	v63 =	vld.idx.msk [tilespmem:v55+s19+$0x0], $0xffff;
	v54 =	vor.u32 $0x1, v50;
	v56 =	vor.u32 s2, v12;
	v25 =	vadd.f32 v57, v61  }
0xbe: {  	v26 =	vld.idx.msk [tilespmem:v26+s20+$0x0], $0xffff;
	v61 =	vmul.f32 $1.442695020e+00, v58;
	v43 =	vnsel vm12, $0xCE6E6B28, v20;
	v51 =	vmul.f32 v40, v44  }
0xbf: {  	v59 =	vpop (erf);
	v20 =	vnsel vm12, $0x4E6E6B28, v20;
	(erf) = vpow2.f32 v38;
	v48 =	vshll.u32 v42, $0x1  }
0xc0: {  	v60 =	vpop (erf);
	v49 =	vmul.f32 $1.000000000e+01, v43;
	vm1 =	vgt.s32 v19, $0x0;
	v55 =	vmul.f32 $-1.000000000e+01, v20  }
0xc1: {  	v38 =	vmul.f32 v40, v62;
	v33 =	vadd.f32 v60, v34;
	(erf) = vpow2.f32 v61  }
0xc2: {  	v29 =	vld.idx.msk [tilespmem:v50+s19+$0x0], $0xffff;
	v46 =	vnsel vm1, $0x0, v19;
	v52 =	vadd.f32 v51, v53;
	v53 =	vmul.f32 v63, v62  }
0xc3: {  	v34 =	vmul.f32 v63, v44;
	v21 =	vmul.f32 $1.442695020e+00, v49;
	v26 =	vadd.f32 v38, v26;
	v40 =	vld.idx.msk [tilespmem:v42+s22+$0x0], $0xffff  }
0xc4: {  	v58 =	vor.u32 $0x1, v48;
	v27 =	vmul.f32 $1.442695020e+00, v55;
	v18 =	vsub.f32 v52, v53;
	v42 =	vld.idx.msk [tilespmem:v42+s23+$0x0], $0xffff  }
0xc5: {  	v24 =	vmin.f32 v24, v37;
	v61 =	vld.idx.msk [tilespmem:v54+s19+$0x0], $0xffff;
	(erf) = vpow2.f32 v21;
	v26 =	vadd.f32 v34, v26  }
0xc6: {  	v28 =	vadd.f32 v59, v28;
	v21 =	vld.idx.msk [tilespmem:v56+s3+$0x0], $0xffff;
	v36 =	vnsel vm13, $0xCE6E6B28, v18;
	(erf) = vpow2.f32 v27  }
0xc7: {  	v41 =	vld.idx.msk [tilespmem:v48+s20+$0x0], $0xffff;
	v18 =	vnsel vm13, $0x4E6E6B28, v18;
	v60 =	vmul.f32 $1.000000000e+01, v36;
	v27 =	vnsel vm13, $0xCE6E6B28, v26  }
0xc8: {  	v39 =	vld.idx.msk [tilespmem:v46+s18+$0x0], $0xffff;
	v63 =	vmul.f32 $-1.000000000e+01, v18;
	v26 =	vnsel vm13, $0x4E6E6B28, v26;
	v52 =	vmul.f32 $1.000000000e+01, v27  }
0xc9: {  	v30 =	vmax.f32 v30, v43;
	v38 =	vld.idx.msk [tilespmem:v58+s20+$0x0], $0xffff;
	v58 =	vmul.f32 $-1.000000000e+01, v26;
	v62 =	vmul.f32 $1.442695020e+00, v60  }
0xca: {  	v20 =	vmin.f32 v22, v20;
	v53 =	vmul.f32 v29, v40;
	v54 =	vmul.f32 $1.442695020e+00, v63  }
0xcb: {  	v56 =	vshll.u32 v46, $0x1;
	v55 =	vmul.f32 v61, v42;
	v29 =	vmul.f32 v29, v42  }
0xcc: {  	vm5 =	vgt.s32 v19, $0xFFFFFFFF;
	v34 =	vmul.f32 v61, v40;
	v57 =	vpop (erf);
	v35 =	vmul.f32 $1.442695020e+00, v52  }
0xcd: {  	vm15 =	vgt.s32 v21, $0x0;
	v61 =	vmul.f32 $1.442695020e+00, v58;
	v23 =	vadd.f32 v57, v23  }
0xce: {  	v59 =	vpop (erf);
	(erf) = vpow2.f32 v62;
	v41 =	vadd.f32 v53, v41;
	v49 =	vshll.u32 v39, $0x1  }
0xcf: {  	v25 =	vadd.f32 v59, v25;
	v29 =	vadd.f32 v29, v38;
	v59 =	vor.u32 s2, v13  }
0xd0: {  	v42 =	vld.idx.msk [tilespmem:v56+s19+$0x0], $0xffff;
	v57 =	vor.u32 $0x1, v56;
	(erf) = vpow2.f32 v54;
	v41 =	vsub.f32 v41, v55  }
0xd1: {  	v40 =	vnsel vm15, $0x0, v21;
	(erf) = vpow2.f32 v35;
	v29 =	vadd.f32 v34, v29;
	v48 =	vld.idx.msk [tilespmem:v39+s22+$0x0], $0xffff  }
0xd2: {  	v31 =	vmax.f32 v31, v36;
	(erf) = vpow2.f32 v61;
	v47 =	vnsel vm14, $0xCE6E6B28, v41;
	v39 =	vld.idx.msk [tilespmem:v39+s23+$0x0], $0xffff  }
0xd3: {  	v41 =	vnsel vm14, $0x4E6E6B28, v41;
	v60 =	vmul.f32 $1.000000000e+01, v47;
	v46 =	vnsel vm14, $0xCE6E6B28, v29;
	v38 =	vld.idx.msk [tilespmem:v49+s20+$0x0], $0xffff  }
0xd4: {  	v51 =	vmul.f32 $-1.000000000e+01, v41;
	v53 =	vnsel vm14, $0x4E6E6B28, v29;
	v63 =	vmul.f32 $1.000000000e+01, v46;
	v29 =	vld.idx.msk [tilespmem:v59+s3+$0x0], $0xffff  }
0xd5: {  	v18 =	vmin.f32 v24, v18;
	v45 =	vld.idx.msk [tilespmem:v57+s19+$0x0], $0xffff;
	v57 =	vmul.f32 $-1.000000000e+01, v53;
	v34 =	vmul.f32 $1.442695020e+00, v60  }
0xd6: {  	v27 =	vmax.f32 v30, v27;
	v44 =	vld.idx.msk [tilespmem:v40+s18+$0x0], $0xffff;
	v56 =	vmul.f32 $1.442695020e+00, v51;
	v35 =	vmul.f32 $1.442695020e+00, v63  }
0xd7: {  	v60 =	vor.u32 $0x1, v49;
	(erf) = vpow2.f32 v34;
	v58 =	vmul.f32 v42, v48  }
0xd8: {  	v20 =	vmin.f32 v20, v26;
	v59 =	vmul.f32 $1.442695020e+00, v57;
	(erf) = vpow2.f32 v56  }
0xd9: {  	v32 =	vadd.f32 v58, v38;
	vm4 =	vgt.s32 v29, $0x0;
	v58 =	vor.u32 s2, v14  }
0xda: {  	v62 =	vpop (erf);
	v61 =	vmul.f32 v45, v39;
	(erf) = vpow2.f32 v35;
	v37 =	vnsel vm4, $0x0, v29  }
0xdb: {  	v28 =	vadd.f32 v62, v28;
	v52 =	vpop (erf);
	v34 =	vshll.u32 v44, $0x1;
	(erf) = vpow2.f32 v59  }
0xdc: {  	v55 =	vshll.u32 v40, $0x1;
	v33 =	vadd.f32 v52, v33;
	v62 =	vpop (erf);
	v35 =	vld.idx.msk [tilespmem:v60+s20+$0x0], $0xffff;
	v32 =	vsub.f32 v32, v61  }
0xdd: {  	v30 =	vmax.f32 v31, v47;
	v31 =	vmin.f32 v18, v41;
	v63 =	vadd.f32 v62, v23;
	v52 =	vpop (erf)  }
0xde: {  	v62 =	vor.u32 $0x1, v55;
	v23 =	vadd.f32 v52, v25;
	v54 =	vpop (erf);
	v19 =	vnsel vm5, $0xCE6E6B28, v32;
	v36 =	vld.idx.msk [tilespmem:v58+s3+$0x0], $0xffff  }
0xdf: {  	v25 =	vadd.f32 v54, v28;
	v56 =	vpop (erf);
	v54 =	vmul.f32 v42, v39;
	v57 =	vmul.f32 $1.000000000e+01, v19;
	v50 =	vld.idx.msk [tilespmem:v37+s18+$0x0], $0xffff  }
0xe0: {  	v18 =	vmin.f32 v20, v53;
	v28 =	vadd.f32 v56, v33;
	v33 =	vld.idx.msk [tilespmem:v34+s20+$0x0], $0xffff;
	v34 =	vor.u32 $0x1, v34;
	v59 =	vpop (erf)  }
0xe1: {  	v42 =	vld.idx.msk [tilespmem:v44+s22+$0x0], $0xffff;
	v56 =	vadd.f32 v54, v35;
	v61 =	vmul.f32 $1.442695020e+00, v57;
	v57 =	vmul.f32 v45, v48;
	v60 =	vpop (erf)  }
0xe2: {  	v58 =	vld.idx.msk [tilespmem:v44+s23+$0x0], $0xffff;
	v37 =	vshll.u32 v37, $0x1;
	v22 =	vadd.f32 v59, v63;
	v51 =	vadd.f32 v60, v23  }
0xe3: {  	v59 =	vld.idx.msk [tilespmem:v62+s19+$0x0], $0xffff;
	v63 =	vpop (erf);
	(erf) = vpow2.f32 v61;
	v26 =	vadd.f32 v57, v56;
	v61 =	vor.u32 s2, v15  }
0xe4: {  	v23 =	vld.idx.msk [tilespmem:v55+s19+$0x0], $0xffff;
	v40 =	vadd.f32 v63, v25;
	v55 =	vpop (erf);
	v25 =	vmax.f32 v27, v46;
	vm6 =	vgt.s32 v36, $0x0  }
0xe5: {  	v39 =	vadd.f32 v55, v28;
	v28 =	vnsel vm5, $0x4E6E6B28, v32;
	v60 =	vshll.u32 v50, $0x1  }
0xe6: {  	v34 =	vld.idx.msk [tilespmem:v34+s20+$0x0], $0xffff;
	v27 =	vnsel vm5, $0xCE6E6B28, v26;
	v20 =	vnsel vm5, $0x4E6E6B28, v26;
	v32 =	vmul.f32 $-1.000000000e+01, v28  }
0xe7: {  	v26 =	vnsel vm6, $0x0, v36;
	v63 =	vmul.f32 $1.000000000e+01, v27;
	v54 =	vmul.f32 $-1.000000000e+01, v20;
	v47 =	vld.idx.msk [tilespmem:v50+s22+$0x0], $0xffff  }
0xe8: {  	v55 =	vor.u32 $0x1, v37;
	v35 =	vmul.f32 v59, v42;
	v32 =	vmul.f32 $1.442695020e+00, v32;
	v41 =	vld.idx.msk [tilespmem:v61+s3+$0x0], $0xffff  }
0xe9: {  	v57 =	vor.u32 $0x1, v60;
	v62 =	vmul.f32 v23, v42;
	v23 =	vmul.f32 v23, v58;
	v42 =	vld.idx.msk [tilespmem:v50+s23+$0x0], $0xffff  }
0xea: {  	vm7 =	vgt.s32 v21, $0xFFFFFFFF;
	v52 =	vmul.f32 v59, v58;
	(erf) = vpow2.f32 v32;
	v45 =	vld.idx.msk [tilespmem:v60+s20+$0x0], $0xffff  }
0xeb: {  	v33 =	vadd.f32 v62, v33;
	v32 =	vmul.f32 $1.442695020e+00, v63;
	v23 =	vadd.f32 v23, v34;
	v34 =	vld.idx.msk [tilespmem:v37+s19+$0x0], $0xffff  }
0xec: {  	vm9 =	vgt.s32 v29, $0xFFFFFFFF;
	vm11 =	vgt.s32 v36, $0xFFFFFFFF;
	v59 =	vor.u32 s2, v16;
	v38 =	vld.idx.msk [tilespmem:v26+s18+$0x0], $0xffff  }
0xed: {  	v56 =	vmul.f32 $1.442695020e+00, v54;
	v46 =	vld.idx.msk [tilespmem:v55+s19+$0x0], $0xffff;
	v53 =	vpop (erf);
	v33 =	vsub.f32 v33, v52;
	(erf) = vpow2.f32 v32  }
0xee: {  	v60 =	vadd.f32 v35, v23;
	v52 =	vld.idx.msk [tilespmem:v57+s20+$0x0], $0xffff;
	v57 =	vshll.u32 v26, $0x1;
	v24 =	vadd.f32 v53, v22  }
0xef: {  	(erf) = vpow2.f32 v56;
	vm8 =	vgt.s32 v41, $0x0;
	v22 =	vnsel vm7, $0xCE6E6B28, v33  }
0xf0: {  	v21 =	vnsel vm7, $0x4E6E6B28, v33;
	v23 =	vnsel vm7, $0xCE6E6B28, v60;
	v58 =	vmul.f32 $1.000000000e+01, v22  }
0xf1: {  	v44 =	vld.idx.msk [tilespmem:v59+s3+$0x0], $0xffff;
	v48 =	vnsel vm8, $0x0, v41;
	v61 =	vmul.f32 $-1.000000000e+01, v21;
	v53 =	vmul.f32 v34, v47  }
0xf2: {  	v26 =	vnsel vm7, $0x4E6E6B28, v60;
	v55 =	vmul.f32 $1.000000000e+01, v23;
	v56 =	vmul.f32 v46, v42  }
0xf3: {  	v60 =	vor.u32 $0x1, v57;
	v34 =	vmul.f32 v34, v42;
	v59 =	vmul.f32 $-1.000000000e+01, v26  }
0xf4: {  	v54 =	vshll.u32 v38, $0x1;
	v46 =	vmul.f32 v46, v47;
	v33 =	vmul.f32 $1.442695020e+00, v58  }
0xf5: {  	v62 =	vmul.f32 $1.442695020e+00, v61;
	v37 =	vadd.f32 v53, v45;
	v58 =	vmul.f32 $1.442695020e+00, v55;
	v50 =	vld.idx.msk [tilespmem:v57+s19+$0x0], $0xffff  }
0xf6: {  	v61 =	vor.u32 $0x1, v54;
	vm10 =	vgt.s32 v44, $0x0;
	v42 =	vmul.f32 $1.442695020e+00, v59;
	v47 =	vld.idx.msk [tilespmem:v38+s22+$0x0], $0xffff  }
0xf7: {  	v63 =	vpop (erf);
	(erf) = vpow2.f32 v33;
	v37 =	vsub.f32 v37, v56;
	v45 =	vld.idx.msk [tilespmem:v48+s18+$0x0], $0xffff;
	v33 =	vadd.f32 v34, v52  }
0xf8: {  	v38 =	vld.idx.msk [tilespmem:v38+s23+$0x0], $0xffff;
	v52 =	vnsel vm10, $0x0, v44;
	v48 =	vshll.u32 v48, $0x1;
	v35 =	vadd.f32 v63, v51  }
0xf9: {  	v43 =	vld.idx.msk [tilespmem:v60+s19+$0x0], $0xffff;
	(erf) = vpow2.f32 v62;
	v63 =	vor.u32 s2, v17;
	v29 =	vnsel vm9, $0xCE6E6B28, v37  }
0xfa: {  	v51 =	vld.idx.msk [tilespmem:v54+s20+$0x0], $0xffff;
	(erf) = vpow2.f32 v58;
	v46 =	vadd.f32 v46, v33;
	v62 =	vmul.f32 $1.000000000e+01, v29  }
0xfb: {  	v56 =	vor.u32 $0x1, v48;
	v58 =	vnsel vm9, $0x4E6E6B28, v37;
	(erf) = vpow2.f32 v42  }
0xfc: {  	v60 =	vmul.f32 $-1.000000000e+01, v58;
	v54 =	vld.idx.msk [tilespmem:v61+s20+$0x0], $0xffff;
	v33 =	vnsel vm9, $0xCE6E6B28, v46;
	v59 =	vmul.f32 $1.442695020e+00, v62  }
0xfd: {  	v34 =	vnsel vm9, $0x4E6E6B28, v46;
	v61 =	vmul.f32 $1.000000000e+01, v33;
	v62 =	vmul.f32 v50, v47;
	v55 =	vld.idx.msk [tilespmem:v52+s18+$0x0], $0xffff  }
0xfe: {  	v49 =	vshll.u32 v45, $0x1;
	v42 =	vmul.f32 $1.442695020e+00, v60;
	v50 =	vmul.f32 v50, v38;
	v53 =	vld.idx.msk [tilespmem:v63+s3+$0x0], $0xffff  }
0xff: {  	v38 =	vmul.f32 v43, v38;
	v43 =	vmul.f32 v43, v47;
	v46 =	vadd.f32 v62, v51;
	v47 =	vld.idx.msk [tilespmem:v45+s22+$0x0], $0xffff  }
0x100: {  	v57 =	vmul.f32 $-1.000000000e+01, v34;
	v52 =	vshll.u32 v52, $0x1;
	(erf) = vpow2.f32 v59;
	v45 =	vld.idx.msk [tilespmem:v45+s23+$0x0], $0xffff  }
0x101: {  	v37 =	vmul.f32 $1.442695020e+00, v61;
	v63 =	vadd.f32 v50, v54;
	v59 =	vsub.f32 v46, v38;
	v46 =	vld.idx.msk [tilespmem:v48+s19+$0x0], $0xffff  }
0x102: {  	v60 =	vor.u32 $0x1, v49;
	v32 =	vmul.f32 $1.442695020e+00, v57;
	(erf) = vpow2.f32 v42;
	v48 =	vld.idx.msk [tilespmem:v56+s19+$0x0], $0xffff  }
0x103: {  	(erf) = vpow2.f32 v37;
	v51 =	vld.idx.msk [tilespmem:v49+s20+$0x0], $0xffff;
	v42 =	vadd.f32 v43, v63;
	v49 =	vshll.u32 v55, $0x1  }
0x104: {  	(erf) = vpow2.f32 v32;
	v36 =	vnsel vm11, $0xCE6E6B28, v59;
	vm12 =	vgt.s32 v53, $0x0  }
0x105: {  	v37 =	vnsel vm11, $0x4E6E6B28, v59;
	v61 =	vmul.f32 $1.000000000e+01, v36;
	v38 =	vnsel vm11, $0xCE6E6B28, v42  }
0x106: {  	v56 =	vnsel vm12, $0x0, v53;
	v62 =	vmul.f32 $-1.000000000e+01, v37;
	v50 =	vmul.f32 $1.000000000e+01, v38  }
0x107: {  	vm13 =	vgt.s32 v41, $0xFFFFFFFF;
	[tilespmem:$0x1FFF0] =	vst v58;
	v63 =	vpop (erf);
	v54 =	vmul.f32 $1.442695020e+00, v61;
	v58 =	vmul.f32 v46, v47  }
0x108: {  	v43 =	vld.idx.msk [tilespmem:v60+s20+$0x0], $0xffff;
	v57 =	vadd.f32 v63, v40;
	v40 =	vmul.f32 $1.442695020e+00, v62;
	v32 =	vmul.f32 v48, v45  }
0x109: {  	v59 =	vpop (erf);
	v61 =	vor.u32 $0x1, v52;
	v63 =	vmul.f32 v46, v45;
	v45 =	vld.idx.msk [tilespmem:v52+s19+$0x0], $0xffff;
	v51 =	vadd.f32 v58, v51  }
0x10a: {  	v59 =	vadd.f32 v59, v39;
	v39 =	vnsel vm11, $0x4E6E6B28, v42;
	v47 =	vmul.f32 v48, v47;
	v60 =	vld.idx.msk [tilespmem:v49+s20+$0x0], $0xffff  }
0x10b: {  	v50 =	vmul.f32 $1.442695020e+00, v50;
	(erf) = vpow2.f32 v54;
	v54 =	vld.idx.msk [tilespmem:v56+s18+$0x0], $0xffff;
	v62 =	vsub.f32 v51, v32  }
0x10c: {  	v49 =	vor.u32 $0x1, v49;
	(erf) = vpow2.f32 v40;
	v51 =	vld.idx.msk [tilespmem:v55+s22+$0x0], $0xffff;
	v32 =	vmul.f32 $-1.000000000e+01, v39  }
0x10d: {  	v43 =	vadd.f32 v63, v43;
	(erf) = vpow2.f32 v50;
	v50 =	vld.idx.msk [tilespmem:v55+s23+$0x0], $0xffff;
	v40 =	vnsel vm13, $0xCE6E6B28, v62  }
0x10e: {  	v52 =	vld.idx.msk [tilespmem:v61+s19+$0x0], $0xffff;
	v46 =	vmul.f32 $1.442695020e+00, v32;
	v41 =	vnsel vm13, $0x4E6E6B28, v62;
	v58 =	vmul.f32 $1.000000000e+01, v40  }
0x10f: {  	v56 =	vshll.u32 v56, $0x1;
	v43 =	vadd.f32 v47, v43;
	v62 =	vmul.f32 $-1.000000000e+01, v41  }
0x110: {  	v55 =	vshll.u32 v54, $0x1;
	(erf) = vpow2.f32 v46;
	v61 =	vmul.f32 $1.442695020e+00, v58  }
0x111: {  	v48 =	vld.idx.msk [tilespmem:v49+s20+$0x0], $0xffff;
	v63 =	vmul.f32 v45, v51;
	v32 =	vmul.f32 $1.442695020e+00, v62  }
0x112: {  	v42 =	vnsel vm13, $0xCE6E6B28, v43;
	v45 =	vmul.f32 v45, v50;
	v58 =	vpop (erf);
	(erf) = vpow2.f32 v61  }
0x113: {  	v46 =	vadd.f32 v63, v60;
	v60 =	vmul.f32 v52, v50;
	v61 =	vor.u32 $0x1, v56  }
0x114: {  	vm14 =	vgt.s32 v44, $0xFFFFFFFF;
	v44 =	vld.idx.msk [tilespmem:v56+s19+$0x0], $0xffff;
	v49 =	vpop (erf);
	(erf) = vpow2.f32 v32;
	v32 =	vmul.f32 $1.000000000e+01, v42  }
0x115: {  	v50 =	vor.u32 $0x1, v55;
	v62 =	vld.idx.msk [tilespmem:v55+s20+$0x0], $0xffff;
	v46 =	vsub.f32 v46, v60  }
0x116: {  	v43 =	vnsel vm13, $0x4E6E6B28, v43;
	v45 =	vadd.f32 v45, v48;
	v55 =	vld.idx.msk [tilespmem:v54+s22+$0x0], $0xffff;
	v47 =	vmul.f32 $1.442695020e+00, v32  }
0x117: {  	v48 =	vmul.f32 v52, v51;
	v52 =	vld.idx.msk [tilespmem:v54+s23+$0x0], $0xffff;
	v60 =	vmul.f32 $-1.000000000e+01, v43;
	v51 =	vnsel vm14, $0xCE6E6B28, v46  }
0x118: {  	v19 =	vmax.f32 v30, v19;
	v56 =	vpop (erf);
	(erf) = vpow2.f32 v47;
	v63 =	vmul.f32 $1.000000000e+01, v51;
	v47 =	vld.idx.msk [tilespmem:v61+s19+$0x0], $0xffff  }
0x119: {  	v45 =	vadd.f32 v48, v45;
	v54 =	vmul.f32 $1.442695020e+00, v60;
	v46 =	vnsel vm14, $0x4E6E6B28, v46  }
0x11a: {  	v28 =	vmin.f32 v31, v28;
	v32 =	vmul.f32 $-1.000000000e+01, v46;
	v50 =	vld.idx.msk [tilespmem:v50+s20+$0x0], $0xffff;
	v30 =	vmul.f32 $1.442695020e+00, v63  }
0x11b: {  	v31 =	vpop (erf);
	(erf) = vpow2.f32 v54;
	v54 =	vnsel vm14, $0xCE6E6B28, v45;
	v61 =	vmul.f32 v44, v55  }
0x11c: {  	v60 =	vpop (erf);
	v45 =	vnsel vm14, $0x4E6E6B28, v45;
	v44 =	vmul.f32 v44, v52;
	(erf) = vpow2.f32 v30  }
0x11d: {  	v30 =	vmul.f32 $1.442695020e+00, v32;
	v48 =	vadd.f32 v61, v62;
	v61 =	vmul.f32 v47, v52  }
0x11e: {  	v25 =	vmax.f32 v25, v27;
	v32 =	vmul.f32 $1.000000000e+01, v54;
	v52 =	vmul.f32 $-1.000000000e+01, v45  }
0x11f: {  	v44 =	vadd.f32 v44, v50;
	v47 =	vmul.f32 v47, v55;
	v48 =	vsub.f32 v48, v61  }
0x120: {  	vm15 =	vgt.s32 v53, $0xFFFFFFFF;
	v62 =	vpop (erf);
	(erf) = vpow2.f32 v30;
	v27 =	vmul.f32 $1.442695020e+00, v32  }
0x121: {  	v63 =	vmul.f32 $1.442695020e+00, v52;
	v44 =	vadd.f32 v47, v44;
	v47 =	vnsel vm15, $0xCE6E6B28, v48  }
0x122: {  	v30 =	vpop (erf);
	(erf) = vpow2.f32 v27;
	v27 =	vnsel vm15, $0x4E6E6B28, v48;
	v32 =	vmul.f32 $1.000000000e+01, v47  }
0x123: {  	v52 =	vpop (erf);
	v50 =	vnsel vm15, $0xCE6E6B28, v44;
	v55 =	vmul.f32 $-1.000000000e+01, v27  }
0x124: {  	v18 =	vmin.f32 v18, v20;
	(erf) = vpow2.f32 v63;
	v53 =	vpop (erf);
	v63 =	vmul.f32 $1.000000000e+01, v50  }
0x125: {  	v44 =	vnsel vm15, $0x4E6E6B28, v44;
	v61 =	vpop (erf);
	v48 =	vmul.f32 $1.442695020e+00, v32;
	v20 =	vmul.f32 $1.442695020e+00, v55  }
0x126: {  	v55 =	vmul.f32 $-1.000000000e+01, v44;
	v32 =	vmovc v17;
	v17 =	vmovc v16;
	v16 =	vmov v15;
	v15 =	vmov v14  }
0x127: {  	v14 =	vmovc v13;
	v13 =	vmovc v12;
	v12 =	vmov v11;
	v11 =	vmov v10;
	v10 =	vmov v9  }
0x128: {  	v9 =	vmovc v0;
	v0 =	vmovc v8;
	v8 =	vmov v7;
	v7 =	vmov v6;
	v6 =	vmov v5  }
0x129: {  	v5 =	vmov v4;
	v4 =	vmov v3;
	v3 =	vmov v2;
	v2 =	vpop (erf)  }
0x12a: {  	v24 =	vadd.f32 v58, v24;
	v58 =	vpop (erf);
	(erf) = vpow2.f32 v48;
	v48 =	vmul.f32 $1.442695020e+00, v63  }
0x12b: {  	(erf) = vpow2.f32 v20;
	v20 =	vmul.f32 $1.442695020e+00, v55  }
0x12c: {  	v35 =	vadd.f32 v49, v35;
	v49 =	vpop (erf)  }
0x12d: {  	v63 =	vadd.f32 v56, v57;
	v56 =	vpop (erf);
	(erf) = vpow2.f32 v48  }
0x12e: {  	v31 =	vadd.f32 v31, v59;
	v48 =	vpop (erf)  }
0x12f: {  	v35 =	vadd.f32 v62, v35;
	v57 =	vadd.f32 v30, v63;
	(erf) = vpow2.f32 v20;
	v20 =	vpop (erf)  }
0x130: {  	v19 =	vmax.f32 v19, v22;
	v24 =	vadd.f32 v60, v24;
	v60 =	vadd.f32 v52, v31;
	v59 =	vpop (erf)  }
0x131: {  	v21 =	vmin.f32 v28, v21;
	v62 =	vadd.f32 v61, v35;
	v2 =	vadd.f32 v2, v57;
	v63 =	vpop (erf)  }
0x132: {  	v23 =	vmax.f32 v25, v23;
	v24 =	vadd.f32 v53, v24;
	v53 =	vadd.f32 v58, v60;
	v58 =	vld [tilespmem:$0x1FFF0];
	v52 =	vpop (erf)  }
0x133: {  	v19 =	vmax.f32 v19, v29;
	v55 =	vadd.f32 v56, v62;
	v2 =	vadd.f32 v48, v2;
	v56 =	vpop (erf)  }
0x134: {  	v18 =	vmin.f32 v18, v26;
	v23 =	vmax.f32 v23, v33;
	v19 =	vmax.f32 v19, v36;
	v57 =	vpop (erf)  }
0x135: {  	v18 =	vmin.f32 v18, v34;
	v19 =	vmax.f32 v19, v40;
	v2 =	vadd.f32 v52, v2;
	v60 =	vpop (erf)  }
0x136: {  	v23 =	vmax.f32 v23, v38;
	v18 =	vmin.f32 v18, v39;
	v19 =	vmax.f32 v19, v51;
	v61 =	vpop (erf)  }
0x137: {  	s24 =	sand.u32 $0x70, s0;
	s25 =	sand.u32 $0x400, s1;
	v49 =	vadd.f32 v49, v24;
	v21 =	vmin.f32 v21, v58;
	v2 =	vadd.f32 v61, v2  }
0x138: {  	s24 =	sor.u32 s24, s25;
	v19 =	vmax.f32 v19, v47;
	v20 =	vadd.f32 v20, v53;
	v21 =	vmin.f32 v21, v37  }
0x139: {  	v22 =	vadd.f32 v59, v49;
	v21 =	vmin.f32 v21, v41;
	[tilespmem:s24+$0x8100] =	vst v2;
	v2 =	vmax.f32 v23, v42  }
0x13a: {  	v59 =	vadd.f32 v63, v55;
	v21 =	vmin.f32 v21, v46;
	v2 =	vmax.f32 v2, v54  }
0x13b: {  	[tilespmem:s24+$0x8200] =	vst v19;
	v63 =	vmin.f32 v21, v27;
	v22 =	vadd.f32 v57, v22;
	v2 =	vmax.f32 v2, v50  }
0x13c: {  	p0 =	sne.s32 s2, $0xF00;
	v18 =	vmin.f32 v18, v43;
	v20 =	vadd.f32 v56, v20;
	[tilespmem:s24+$0x8280] =	vst v63  }
.Ltmp1:
0x13d: {  	v18 =	vmin.f32 v18, v45;
	v25 =	vadd.f32 v60, v59;
	[tilespmem:s24+$0x8000] =	vst v22;
	v62 =	vpop (erf);
	(pc) =	sbr.rel @p0 .LBB2_4-.Ltmp1, $4  }
0x13e: {  	v18 =	vmin.f32 v18, v44;
	v20 =	vadd.f32 v62, v20;
	[tilespmem:s24+$0x8300] =	vst v2;
	v2 =	vmovc v3;
	v3 =	vmov v4  }
0x13f: {  	s25 =	sor.u32 s1, s0;
	[tilespmem:s24+$0x8080] =	vst v25;
	v4 =	vmovc v5;
	v5 =	vmovc v6;
	v6 =	vmov v7;
	v7 =	vmov v8;
	v8 =	vmov v0  }
0x140: {  	s25 =	sor.u32 $0x380, s25;
	[tilespmem:s24+$0x8180] =	vst v20;
	v0 =	vmovc v9;
	v9 =	vmovc v10;
	v10 =	vmov v11;
	v11 =	vmov v12;
	v12 =	vmov v13  }
0x141: {  	s1 =	sadd.s32 $0x80, s1;
	s0 =	sadd.s32 $0x10, s0;
	s2 =	sadd.s32 $0x100, s2;
	[tilespmem:s25+$0x8000] =	vst v18;
	v13 =	vmovc v14;
	v14 =	vmovc v15;
	v15 =	vmov v16;
	v16 =	vmov v17;
	v17 =	vmov v32  }
0x142: {  	s0 =	simm.s32 $0x8000  }
0x143: {  	[hbm4b:s8+s3] =	stream.linear.scatter [tilespmem:s0], [sflag:$0x1], $0x80, $0x38;
	[tilespmem:$0x8800] =	vst v63  }
0x144: {  	s25 =	sadd.s32 $0x80, s8;
	s1 =	simm.s32 $0x8400  }
0x145: {  	[hbm4b:s25+s3] =	stream.linear.scatter [tilespmem:s1], [sflag:$0x1], $0x80, $0x38;
	[tilespmem:$0x8800] =	vst v63  }
0x146: {  	_ =	swait.ge [sflag:s17], $0x100  }
0x147: {  	[sflag:s17] =	ssyncset.done $0x0  }
0x148: {  	s2 =	simm.s32 $0x8080;
	[sflag:s17] =	ssyncadd.s32 $0xFFFFFF00  }
0x149: {  	[hbm4b:s9+s3] =	stream.linear.scatter [tilespmem:s2], [sflag:$0x1], $0x80, $0x38;
	[tilespmem:$0x8800] =	vst v63  }
0x14a: {  	s24 =	sadd.s32 $0x80, s9;
	s25 =	simm.s32 $0x8480  }
0x14b: {  	[hbm4b:s24+s3] =	stream.linear.scatter [tilespmem:s25], [sflag:$0x1], $0x80, $0x38;
	[tilespmem:$0x8800] =	vst v63  }
0x14c: {  	_ =	swait.ge [sflag:s17], $0x100  }
0x14d: {  	[sflag:s17] =	ssyncset.done $0x0  }
0x14e: {  	s2 =	simm.s32 $0x8100;
	[sflag:s17] =	ssyncadd.s32 $0xFFFFFF00  }
0x14f: {  	[hbm4b:s10+s3] =	stream.linear.scatter [tilespmem:s2], [sflag:$0x1], $0x80, $0x38;
	[tilespmem:$0x8800] =	vst v63  }
0x150: {  	s24 =	sadd.s32 $0x80, s10;
	s25 =	simm.s32 $0x8500  }
0x151: {  	[hbm4b:s24+s3] =	stream.linear.scatter [tilespmem:s25], [sflag:$0x1], $0x80, $0x38;
	[tilespmem:$0x8800] =	vst v63  }
0x152: {  	_ =	swait.ge [sflag:s17], $0x100  }
0x153: {  	[sflag:s17] =	ssyncset.done $0x0  }
0x154: {  	s2 =	simm.s32 $0x8180;
	[sflag:s17] =	ssyncadd.s32 $0xFFFFFF00  }
0x155: {  	[hbm4b:s11+s3] =	stream.linear.scatter [tilespmem:s2], [sflag:$0x1], $0x80, $0x38;
	[tilespmem:$0x8800] =	vst v63  }
0x156: {  	s24 =	sadd.s32 $0x80, s11;
	s25 =	simm.s32 $0x8580  }
0x157: {  	[hbm4b:s24+s3] =	stream.linear.scatter [tilespmem:s25], [sflag:$0x1], $0x80, $0x38;
	[tilespmem:$0x8800] =	vst v63  }
0x158: {  	_ =	swait.ge [sflag:s17], $0x100  }
0x159: {  	[sflag:s17] =	ssyncset.done $0x0  }
0x15a: {  	s1 =	simm.s32 $0x8200;
	[sflag:s17] =	ssyncadd.s32 $0xFFFFFF00  }
0x15b: {  	[hbm4b:s12+s3] =	stream.linear.scatter [tilespmem:s1], [sflag:$0x1], $0x80, $0x38;
	[tilespmem:$0x8800] =	vst v63  }
0x15c: {  	s2 =	sadd.s32 $0x80, s12;
	s24 =	simm.s32 $0x8600  }
0x15d: {  	[hbm4b:s2+s3] =	stream.linear.scatter [tilespmem:s24], [sflag:$0x1], $0x80, $0x38;
	[tilespmem:$0x8800] =	vst v63  }
0x15e: {  	_ =	swait.ge [sflag:s17], $0x100  }
0x15f: {  	[sflag:s17] =	ssyncset.done $0x0  }
0x160: {  	s25 =	simm.s32 $0x8280;
	[sflag:s17] =	ssyncadd.s32 $0xFFFFFF00  }
0x161: {  	[hbm4b:s13+s3] =	stream.linear.scatter [tilespmem:s25], [sflag:$0x1], $0x80, $0x38;
	[tilespmem:$0x8800] =	vst v63  }
0x162: {  	s1 =	sadd.s32 $0x80, s13;
	s2 =	simm.s32 $0x8680  }
0x163: {  	[hbm4b:s1+s3] =	stream.linear.scatter [tilespmem:s2], [sflag:$0x1], $0x80, $0x38;
	[tilespmem:$0x8800] =	vst v63  }
0x164: {  	_ =	swait.ge [sflag:s17], $0x100  }
0x165: {  	[sflag:s17] =	ssyncset.done $0x0  }
0x166: {  	[sflag:s17] =	ssyncadd.s32 $0xFFFFFF00  }
0x167: {  	[hbm4b:s14+s3] =	stream.linear.scatter [tilespmem:s26], [sflag:$0x1], $0x80, $0x38;
	[tilespmem:$0x8800] =	vst v63  }
0x168: {  	s24 =	sadd.s32 $0x80, s14  }
0x169: {  	[hbm4b:s24+s3] =	stream.linear.scatter [tilespmem:s28], [sflag:$0x1], $0x80, $0x38;
	[tilespmem:$0x8800] =	vst v63  }
0x16a: {  	_ =	swait.ge [sflag:s17], $0x100  }
0x16b: {  	s31 =	sadd.s32 $0x1, s31;
	[sflag:s17] =	ssyncset.done $0x0  }
0x16c: {  	p0 =	sne.s32 s31, s16;
	[sflag:s17] =	ssyncadd.s32 $0xFFFFFF00  }
0x16d: {  	[hbm4b:s15+s3] =	stream.linear.scatter [tilespmem:s29], [sflag:$0x1], $0x80, $0x38;
	[tilespmem:$0x8800] =	vst v63  }
.Ltmp2:
0x16e: {  	s25 =	sadd.s32 $0x80, s15;
	(pc) =	sbr.rel @p0 .LBB2_1-.Ltmp2, $4  }
0x16f: {  	[hbm4b:s25+s3] =	stream.linear.scatter [tilespmem:s30], [sflag:$0x1], $0x80, $0x38;
	[tilespmem:$0x8800] =	vst v63  }
0x170: {  	_ =	swait.ge [sflag:s17], $0x100  }
0x171: {  	[sflag:s17] =	ssyncset.done $0x0  }
0x172: {  	[sflag:s17] =	ssyncadd.s32 $0xFFFFFF00  }
0x173: {  	_ =	sfence.sel $0x180000  }
0x174: {  	[bflag:$0x0] =	sbarrier.arrive $0xFFFF  }
0x175: {  	_ =	strace $0x90000047  }
0x176: {  	s0 =	stileid.u32;
	[bflag:$0x2] =	sbarrier.arrive $0xFFFF  }
0x177: {  	p0 =	sne.s32 s0, $0x0;
	s0 =	rddreg [dreg:$0x2]  }
0x178: {  	s0 =	sadd.s32 @!p0 $0x100000, s0  }
0x179: {  	[sflag:s0] =	ssyncadd.tile.s32 @!p0 $0x1;
	_ =	shalt  }
.Lfunc_end2:
_tile_overlayer_lowered:
.L_overlay_start_2:
0x17a: {  	(tag) =	ssettag $0x2  }
0x17b: {  	s0 =	rddreg [dreg:$0x0];
	s2 =	stileid.u32  }
0x17c: {  	s1 =	rddreg [dreg:$0x1];
	p0 =	sne.s32 s2, $0x0  }
0x17d: {  	s3 =	rddreg [dreg:$0x2];
	[bflag:$0x3] =	sbarrier.arrive $0xFFFF;
	s2 =	simm.s32 @!p0 $0x1C01  }
0x17e: {  	[timem:s3], [sflag:s2] =	dma.local @!p0 [hbm:s0], s1  }
0x17f: {  	s0 =	simm.s32 @!p0 $0x1  }
0x180: {  	_ =	swait.ge @!p0 [sflag:s0], s1  }
0x181: {  	s1 =	ssub.s32 @!p0 $0x0, s1;
	[sflag:s0] =	ssyncset.done @!p0 $0x0  }
0x182: {  	[sflag:s0] =	ssyncadd.s32 @!p0 s1  }
0x183: {  	[bflag:$0x3] =	sbarrier.arrive $0xFFFF  }
0x184: {  	_ =	shalt  }

</sc_bundles>
